<compile_context>
chip_gen: v7x
topology: tpu7x:2x2x1
jax: 0.10.2.dev20260603
libtpu: 0.0.44.dev20260713+nightly
codegen_flags: <defaults>
</compile_context>

<pallas_src>
import functools

import numpy as np
import jax
import jax.numpy as jnp
from jax import lax
from jax.experimental import pallas as pl
from jax.experimental.pallas import tpu as pltpu
from jax.experimental.pallas import tpu_sc as plsc

_DN_T = (((1,), (1,)), ((), ()))


def _taps(xfn, w_ref, sb_ref):
    acc = None
    for p in (0, 1):
        for q in (0, 1):
            part = lax.dot_general(xfn(p, q), w_ref[2 * p + q], _DN_T,
                                   preferred_element_type=jnp.float32)
            acc = part if acc is None else acc + part
    acc = acc * sb_ref[0:1, :] + sb_ref[1:2, :]
    return jnp.where(acc >= 0.0, acc, np.float32(0.2) * acc)


def _ref_tap(x_ref):
    G, U, _, W2, D = x_ref.shape
    V = W2 // 2
    M = G * U * V
    planes = [x_ref[:, :, p] for p in (0, 1)]

    merged = [planes[p].reshape(M, 2 * D) for p in (0, 1)]

    def xfn(p, q):
        return merged[p][:, q * D:(q + 1) * D]

    return xfn


def _val_tap(y, U, V, D):

    merged = [y.reshape(U, 2, 2 * V, D)[:, p].reshape(U * V, 2 * D)
              for p in (0, 1)]

    def xfn(p, q):
        return merged[p][:, q * D:(q + 1) * D]

    return xfn


def _conv1_body(x_ref, w_ref, sb_ref, o_ref):
    o_ref[...] = _taps(_ref_tap(x_ref), w_ref, sb_ref)


def _conv1_call(z5, wst, sb, nsteps):
    N, U, _, W2, D = z5.shape
    V = W2 // 2
    g = N // nsteps
    mb = g * U * V
    return pl.pallas_call(
        _conv1_body,
        grid=(nsteps,),
        in_specs=[
            pl.BlockSpec((g, U, 2, W2, D), lambda j: (j, 0, 0, 0, 0)),
            pl.BlockSpec((4, D, D), lambda j: (0, 0, 0)),
            pl.BlockSpec((2, D), lambda j: (0, 0)),
        ],
        out_specs=pl.BlockSpec((mb, D), lambda j: (j, 0)),
        out_shape=jax.ShapeDtypeStruct((N * U * V, D), jnp.float32),
    )(z5, wst, sb)


def _conv2_body(x_ref, w_ref, sb_ref, o_ref):
    y = _taps(_ref_tap(x_ref), w_ref, sb_ref)
    D = y.shape[-1]
    y5 = y.reshape(2, 8, 8, 8, D)
    o_ref[...] = jnp.transpose(y5, (0, 2, 1, 3, 4)).reshape(16, 64, D)


def _conv2_call(z5, wst, sb):
    N, U, _, W2, D = z5.shape
    return pl.pallas_call(
        _conv2_body,
        grid=(4,),
        in_specs=[
            pl.BlockSpec((16, U, 2, W2, D), lambda j: (j, 0, 0, 0, 0)),
            pl.BlockSpec((4, D, D), lambda j: (0, 0, 0)),
            pl.BlockSpec((2, D), lambda j: (0, 0)),
        ],
        out_specs=pl.BlockSpec((16, 64, D), lambda j: (j, 0, 0)),
        out_shape=jax.ShapeDtypeStruct((64, 64, D), jnp.float32),
    )(z5, wst, sb)


def _make_tail_body(E):
    def _tail_body(m_ref, w3_ref, sb3_ref, w4_ref, sb4_ref, w5_ref, sb5_ref,
                   fw_ref, fb_ref, c_ref, s_ref, wg_ref, o_ref):
        D = m_ref.shape[-1]
        y3 = _taps(_ref_tap(m_ref), w3_ref, sb3_ref)
        y4 = _taps(_val_tap(y3, 16, 16, D), w4_ref, sb4_ref)
        y5 = _taps(_val_tap(y4, 8, 8, D), w5_ref, sb5_ref)
        h = (jnp.sum(y5 * fw_ref[...], axis=1, keepdims=True)
             + fb_ref[0:1, 0:1])
        h4 = h.reshape(4, 16)
        re = jnp.dot(h4, c_ref[...], preferred_element_type=jnp.float32)
        im = jnp.dot(h4, s_ref[...], preferred_element_type=jnp.float32)
        amp = jnp.sqrt(re * re + im * im)
        lg = jnp.dot(amp, wg_ref[...], preferred_element_type=jnp.float32)
        col = lax.broadcasted_iota(jnp.int32, lg.shape, 1)
        o_ref[...] = jnp.where(col < E, lg, np.float32(-1e30))

    return _tail_body


def _tail_call(m3, w3, sb3, w4, sb4, w5, sb5, fw, fb, cm, sm, wgp, E):
    return pl.pallas_call(
        _make_tail_body(E),
        out_shape=jax.ShapeDtypeStruct((4, 128), jnp.float32),
    )(m3, w3, sb3, w4, sb4, w5, sb5, fw, fb, cm, sm, wgp)


def _sc_gate(logits_p):
    B = logits_p.shape[0]
    mesh = plsc.VectorSubcoreMesh(core_axis_name="c", subcore_axis_name="s")

    @functools.partial(
        pl.kernel,
        out_type=jax.ShapeDtypeStruct((B, 16), jnp.float32),
        mesh=mesh,
        compiler_params=pltpu.CompilerParams(needs_layout_passes=False),
        scratch_types=[
            pltpu.VMEM((16,), jnp.float32),
            pltpu.VMEM((16,), jnp.float32),
            pltpu.VMEM((16,), jnp.float32),
        ],
    )
    def k(lg_hbm, out_hbm, lvec, svec, gvec):
        wid = lax.axis_index("s") * 2 + lax.axis_index("c")

        @pl.when(wid < B)
        def _():
            pltpu.sync_copy(lg_hbm.at[wid, pl.ds(0, 16)], lvec)
            keys = lvec[...]
            lanes = lax.iota(jnp.int32, 16)
            sk, sv = plsc.sort_key_val(keys, lanes, descending=True)
            svec[...] = sk
            top1 = plsc.load_gather(svec, [jnp.zeros((16,), jnp.int32)])
            top2 = plsc.load_gather(svec, [jnp.full((16,), 1, jnp.int32)])
            e = jnp.exp(top2 - top1)
            one = jnp.full((16,), 1.0, jnp.float32)
            den = one + e
            g1 = one / den
            g2 = e / den
            vals = jnp.where(lanes == 0, g1, g2)
            gvec[...] = jnp.zeros((16,), jnp.float32)
            plsc.store_scatter(gvec, [sv], vals, mask=lanes < 2)
            pltpu.sync_copy(gvec, out_hbm.at[wid])

    return k(logits_p)


def kernel(x, conv_ws, conv_bs, bn_gammas, bn_betas, fuse_w, fuse_b, w_gate,
           training):
    B, T, H, W, D = x.shape
    N = B * T
    nf, E = w_gate.shape

    wsts, sbs = [], []
    for cw, cb, g, bb in zip(conv_ws, conv_bs, bn_gammas, bn_betas):
        wsts.append(jnp.transpose(cw, (2, 3, 0, 1)).reshape(4, D, D))
        sbs.append(jnp.stack([g, cb * g + bb]))

    z1 = x.reshape(N, H // 2, 2, W, D)
    y1 = _conv1_call(z1, wsts[0], sbs[0], 16)
    z2 = y1.reshape(N, 8, 2, 16, D)
    m3 = _conv2_call(z2, wsts[1], sbs[1])
    t = np.arange(T)[:, None].astype(np.float64)
    kk = np.arange(1, nf + 1)[None, :].astype(np.float64)
    ang = 2.0 * np.pi * t * kk / T
    cm = jnp.asarray(np.cos(ang) / np.sqrt(T), jnp.float32)
    sm = jnp.asarray(-np.sin(ang) / np.sqrt(T), jnp.float32)
    wgp = jnp.zeros((nf, 128), jnp.float32).at[:, :E].set(w_gate)

    lgp = _tail_call(
        m3.reshape(1, 32, 2, 64, D), wsts[2], sbs[2], wsts[3], sbs[3],
        wsts[4], sbs[4], fuse_w.reshape(1, D), fuse_b.reshape(1, 1),
        cm, sm, wgp, E,
    )
    gates16 = _sc_gate(lgp)
    return gates16[:, :E]

# --- scband reference (transcript-rebuilt; emitter-appended) ---
"""Pipeline reference for scband-model-23965917512128 (READ-ONLY COPY).

The authoritative reference and input builder live on the scoring server;
editing this copy changes nothing except your own understanding.
"""

import jax, jax.numpy as jnp
import numpy as np

SEQ_LEN = 16
TOP_K = 2
D_MODEL = 512
HEIGHT = 32
WIDTH = 32


def get_segment_sizes(seq_len):
    freqs = np.fft.rfftfreq(seq_len)[1:]
    period_list = 1.0 / freqs
    segment_sizes = np.unique((period_list + 1e-05).astype(np.int32))[::-1]
    return segment_sizes


def get_num_conv_layers(height, width):
    ks = 2
    num_layers = 0
    h, w = height, width
    while h % ks == 0 and w % ks == 0:
        num_layers += 1
        h //= ks
        w //= ks
    return num_layers, h * w


def setup_inputs(seed: int = 0) -> dict:
    key = jax.random.key(seed)
    ks = jax.random.split(key, 32)
    B, T, H, W, D = 4, SEQ_LEN, HEIGHT, WIDTH, D_MODEL
    num_freqs = SEQ_LEN // 2
    segment_sizes = get_segment_sizes(SEQ_LEN)
    num_experts = len(segment_sizes)
    num_conv_layers, num_spatial_tokens = get_num_conv_layers(H, W)

    inp = {}
    inp['x'] = jax.random.normal(ks[0], (B, T, H, W, D), dtype=jnp.float32)
    # conv layers params: kernel 2x2 stride 2, d_model->d_model, plus batchnorm params
    conv_ws = []
    conv_bs = []
    bn_gammas = []
    bn_betas = []
    for i in range(num_conv_layers):
        conv_ws.append(jax.random.normal(ks[1 + i], (D, D, 2, 2), dtype=jnp.float32) * np.float32(1.0 / np.sqrt(D * 4)))
        conv_bs.append(jnp.zeros((D,), dtype=jnp.float32))
        bn_gammas.append(jnp.ones((D,), dtype=jnp.float32))
        bn_betas.append(jnp.zeros((D,), dtype=jnp.float32))
    inp['conv_ws'] = tuple(conv_ws)
    inp['conv_bs'] = tuple(conv_bs)
    inp['bn_gammas'] = tuple(bn_gammas)
    inp['bn_betas'] = tuple(bn_betas)
    inp['fuse_w'] = jax.random.normal(ks[20], (D * num_spatial_tokens, 1), dtype=jnp.float32) * np.float32(1.0 / np.sqrt(D * num_spatial_tokens))
    inp['fuse_b'] = jnp.zeros((1,), dtype=jnp.float32)
    inp['w_gate'] = jax.random.normal(ks[21], (num_freqs, num_experts), dtype=jnp.float32) * 0.02
    inp['training'] = 0
    return inp


def _forward(x, conv_ws, conv_bs, bn_gammas, bn_betas, fuse_w, fuse_b, w_gate):
    B, T, H, W, D = x.shape
    # (b t) d h w
    h = jnp.reshape(x, (B * T, H, W, D))
    h = jnp.transpose(h, (0, 3, 1, 2))  # NCHW
    for cw, cb, g, b in zip(conv_ws, conv_bs, bn_gammas, bn_betas):
        h = jax.lax.conv_general_dilated(h, cw, window_strides=(2, 2), padding='VALID',
                                         dimension_numbers=('NCHW', 'OIHW', 'NCHW'))
        h = h + cb[None, :, None, None]
        # batchnorm (eval mode semantics approximated with batch stats since running stats init mean0 var1;
        # use identity running stats: mean=0, var=1)
        h = h * g[None, :, None, None] + b[None, :, None, None]
        # LeakyReLU(0.2)
        h = jnp.where(h >= 0, h, 0.2 * h)
    # (b t) d h w -> b t (h w d)
    BT, Dc, Hc, Wc = h.shape
    h = jnp.transpose(h, (0, 2, 3, 1))  # bt h w d
    h = jnp.reshape(h, (B, T, Hc * Wc * Dc))
    h = h @ fuse_w + fuse_b  # (B, T, 1)
    h = jnp.squeeze(h, -1)  # (B, T)
    xf = jnp.fft.rfft(h, axis=-1, norm='ortho')[:, 1:]
    amp = jnp.abs(xf)  # (B, num_freqs)
    clean_logits = amp @ w_gate  # (B, num_experts)
    logits = clean_logits  # training=False path
    top_logits, top_indices = jax.lax.top_k(logits, TOP_K + 1)
    top_k_logits = top_logits[:, :TOP_K]
    top_k_indices = top_indices[:, :TOP_K]
    top_k_gates = jax.nn.softmax(top_k_logits, axis=-1)
    zeros = jnp.zeros_like(logits)
    Bsz = logits.shape[0]
    row_idx = jnp.arange(Bsz)[:, None]
    gates = zeros.at[row_idx, top_k_indices].set(top_k_gates)
    return gates


def reference(x, conv_ws, conv_bs, bn_gammas, bn_betas, fuse_w, fuse_b, w_gate, training):
    return _forward(x, conv_ws, conv_bs, bn_gammas, bn_betas, fuse_w, fuse_b, w_gate)

if __name__ == "__main__":
    import jax
    _d = setup_inputs()
    print(jax.jit(kernel)(*tuple(_d.values())))

</pallas_src>

<mosaic_0001>
#map = affine_map<(d0, d1) -> (0, 0)>
module attributes {stable_mosaic.version = 14 : i64} {
  func.func @k(%arg0: i32, %arg1: i32, %arg2: memref<4x128xf32, #tpu.memory_space<hbm>>, %arg3: memref<4x16xf32, #tpu.memory_space<hbm>>, %arg4: memref<16xf32, #tpu.memory_space<vmem>>, %arg5: memref<16xf32, #tpu.memory_space<vmem>>, %arg6: memref<16xf32, #tpu.memory_space<vmem>>) attributes {dimension_semantics = [#tpu.dimension_semantics<core_parallel>, #tpu.dimension_semantics<subcore_parallel>], iteration_bounds = array<i64: 2, 16>, scalar_prefetch = 0 : i64, scratch_operands = 3 : i64, tpu.core_type = #tpu.core_type<sc_vector_subcore>, window_params = [{transform_indices = #map}, {transform_indices = #map}]} {
    %mul3A = arith.constant 2 : i32
    %mul3A_0 = arith.muli %arg1, %mul3A : i32
    %add3A = arith.addi %mul3A_0, %arg0 : i32
    %lt3A = arith.constant 4 : i32
    %lt3A_1 = arith.cmpi slt, %add3A, %lt3A : i32
    %convert_element_type3A = arith.extui %lt3A_1 : i1 to i32
    %cond3A = arith.constant 0 : i32
    %cond3A_2 = arith.cmpi ne, %convert_element_type3A, %cond3A : i32
    scf.if %cond3A_2 {
      "tpu.region"() ({
        %run_scoped3A = tpu.sem_alloc : memref<!tpu.dma_semaphore, #tpu.memory_space<semaphore_mem>>
        %dma_start3A = arith.constant 0 : i32
        %dma_start3A_25 = tpu.memref_slice %arg2[%add3A, %dma_start3A] : memref<4x128xf32, #tpu.memory_space<hbm>> -> memref<1x16xf32, #tpu.memory_space<hbm>>
        %dma_start3A_26 = tpu.memref_squeeze %dma_start3A_25 : memref<1x16xf32, #tpu.memory_space<hbm>> -> memref<16xf32, #tpu.memory_space<hbm>>
        %dma_start3A_27 = arith.constant 0 : i32
        %dma_start3A_28 = tpu.memref_slice %arg2[%add3A, %dma_start3A_27] : memref<4x128xf32, #tpu.memory_space<hbm>> -> memref<1x16xf32, #tpu.memory_space<hbm>>
        %dma_start3A_29 = tpu.memref_squeeze %dma_start3A_28 : memref<1x16xf32, #tpu.memory_space<hbm>> -> memref<16xf32, #tpu.memory_space<hbm>>
        tpu.enqueue_dma source(%dma_start3A_29 : memref<16xf32, #tpu.memory_space<hbm>>) target(%arg4 : memref<16xf32, #tpu.memory_space<vmem>>) target_semaphore(%run_scoped3A : memref<!tpu.dma_semaphore, #tpu.memory_space<semaphore_mem>>)
        %dma_wait3A = arith.constant 0 : i32
        %dma_wait3A_30 = tpu.memref_slice %arg2[%add3A, %dma_wait3A] : memref<4x128xf32, #tpu.memory_space<hbm>> -> memref<1x16xf32, #tpu.memory_space<hbm>>
        %dma_wait3A_31 = tpu.memref_squeeze %dma_wait3A_30 : memref<1x16xf32, #tpu.memory_space<hbm>> -> memref<16xf32, #tpu.memory_space<hbm>>
        %dma_wait3A_32 = arith.constant 0 : i32
        %dma_wait3A_33 = tpu.memref_slice %arg2[%add3A, %dma_wait3A_32] : memref<4x128xf32, #tpu.memory_space<hbm>> -> memref<1x16xf32, #tpu.memory_space<hbm>>
        %dma_wait3A_34 = tpu.memref_squeeze %dma_wait3A_33 : memref<1x16xf32, #tpu.memory_space<hbm>> -> memref<16xf32, #tpu.memory_space<hbm>>
        tpu.wait_dma2 semaphore(%run_scoped3A : memref<!tpu.dma_semaphore, #tpu.memory_space<semaphore_mem>>) src(%dma_wait3A_34 : memref<16xf32, #tpu.memory_space<hbm>>) dst(%arg4 : memref<16xf32, #tpu.memory_space<vmem>>)
        tpu.yield
      }) : () -> ()
      %get3A = arith.constant 0 : index
      %get3A_3 = tpu.vector_load %arg4[%get3A] {strides = array<i32>} : memref<16xf32, #tpu.memory_space<vmem>>, vector<16xf32>,
      %iota3A = tpu.iota {dimensions = array<i32: 0>} : vector<16xi32>
      %masked_sort3A = arith.constant dense<true> : vector<16xi1>
      %masked_sort3A_4, %masked_sort3A_5, %masked_sort3A_6 = tpu.sort %get3A_3, %iota3A masked %masked_sort3A {descending = true} : (vector<16xf32>, vector<16xi32>, vector<16xi1>) -> (vector<16xi1>, vector<16xf32>, vector<16xi32>)
      %swap3A = arith.constant 0 : index
      %swap3A_7 = tpu.vector_load %arg5[%swap3A] {strides = array<i32>} : memref<16xf32, #tpu.memory_space<vmem>>, vector<16xf32>,
      tpu.vector_store %arg5[%swap3A], %masked_sort3A_5 {strides = array<i32>} : memref<16xf32, #tpu.memory_space<vmem>>, vector<16xf32>,
      %broadcast_in_dim3A = arith.constant 0 : i32
      %broadcast_in_dim3A_8 = vector.broadcast %broadcast_in_dim3A : i32 to vector<16xi32>
      %gather3A = tpu.vector_load_idx %arg5[%broadcast_in_dim3A_8] : memref<16xf32, #tpu.memory_space<vmem>>[vector<16xi32>], vector<16xf32>,
      %broadcast_in_dim3A_9 = arith.constant 1 : i32
      %broadcast_in_dim3A_10 = vector.broadcast %broadcast_in_dim3A_9 : i32 to vector<16xi32>
      %gather3A_11 = tpu.vector_load_idx %arg5[%broadcast_in_dim3A_10] : memref<16xf32, #tpu.memory_space<vmem>>[vector<16xi32>], vector<16xf32>,
      %sub3A = arith.subf %gather3A_11, %gather3A : vector<16xf32>
      %exp3A = math.exp %sub3A : vector<16xf32>
      %broadcast_in_dim3A_12 = arith.constant 1.000000e+00 : f32
      %broadcast_in_dim3A_13 = vector.broadcast %broadcast_in_dim3A_12 : f32 to vector<16xf32>
      %add3A_14 = arith.addf %broadcast_in_dim3A_13, %exp3A : vector<16xf32>
      %div3A = arith.divf %broadcast_in_dim3A_13, %add3A_14 : vector<16xf32>
      %div3A_15 = arith.divf %exp3A, %add3A_14 : vector<16xf32>
      %eq3A = arith.constant 0 : i32
      %eq3A_16 = vector.broadcast %eq3A : i32 to vector<16xi32>
      %eq3A_17 = arith.cmpi eq, %iota3A, %eq3A_16 : vector<16xi32>
      %select_n3A = arith.select %eq3A_17, %div3A, %div3A_15 : vector<16xi1>, vector<16xf32>
      %broadcast_in_dim3A_18 = arith.constant 0.000000e+00 : f32
      %broadcast_in_dim3A_19 = vector.broadcast %broadcast_in_dim3A_18 : f32 to vector<16xf32>
      %swap3A_20 = arith.constant 0 : index
      %swap3A_21 = tpu.vector_load %arg6[%swap3A_20] {strides = array<i32>} : memref<16xf32, #tpu.memory_space<vmem>>, vector<16xf32>,
      tpu.vector_store %arg6[%swap3A_20], %broadcast_in_dim3A_19 {strides = array<i32>} : memref<16xf32, #tpu.memory_space<vmem>>, vector<16xf32>,
      %lt3A_22 = arith.constant 2 : i32
      %lt3A_23 = vector.broadcast %lt3A_22 : i32 to vector<16xi32>
      %lt3A_24 = arith.cmpi slt, %iota3A, %lt3A_23 : vector<16xi32>
      tpu.vector_store_idx %arg6[%masked_sort3A_6], %select_n3A masked %lt3A_24 : memref<16xf32, #tpu.memory_space<vmem>>[vector<16xi32>], vector<16xf32>, vector<16xi1>
      "tpu.region"() ({
        %run_scoped3A = tpu.sem_alloc : memref<!tpu.dma_semaphore, #tpu.memory_space<semaphore_mem>>
        %dma_start3A = arith.constant 0 : i32
        %dma_start3A_25 = tpu.memref_slice %arg3[%add3A, %dma_start3A] : memref<4x16xf32, #tpu.memory_space<hbm>> -> memref<1x16xf32, #tpu.memory_space<hbm>>
        %dma_start3A_26 = tpu.memref_squeeze %dma_start3A_25 : memref<1x16xf32, #tpu.memory_space<hbm>> -> memref<16xf32, #tpu.memory_space<hbm>>
        %dma_start3A_27 = arith.constant 0 : i32
        %dma_start3A_28 = tpu.memref_slice %arg3[%add3A, %dma_start3A_27] : memref<4x16xf32, #tpu.memory_space<hbm>> -> memref<1x16xf32, #tpu.memory_space<hbm>>
        %dma_start3A_29 = tpu.memref_squeeze %dma_start3A_28 : memref<1x16xf32, #tpu.memory_space<hbm>> -> memref<16xf32, #tpu.memory_space<hbm>>
        tpu.enqueue_dma source(%arg6 : memref<16xf32, #tpu.memory_space<vmem>>) target(%dma_start3A_29 : memref<16xf32, #tpu.memory_space<hbm>>) target_semaphore(%run_scoped3A : memref<!tpu.dma_semaphore, #tpu.memory_space<semaphore_mem>>)
        %dma_wait3A = arith.constant 0 : i32
        %dma_wait3A_30 = tpu.memref_slice %arg3[%add3A, %dma_wait3A] : memref<4x16xf32, #tpu.memory_space<hbm>> -> memref<1x16xf32, #tpu.memory_space<hbm>>
        %dma_wait3A_31 = tpu.memref_squeeze %dma_wait3A_30 : memref<1x16xf32, #tpu.memory_space<hbm>> -> memref<16xf32, #tpu.memory_space<hbm>>
        %dma_wait3A_32 = arith.constant 0 : i32
        %dma_wait3A_33 = tpu.memref_slice %arg3[%add3A, %dma_wait3A_32] : memref<4x16xf32, #tpu.memory_space<hbm>> -> memref<1x16xf32, #tpu.memory_space<hbm>>
        %dma_wait3A_34 = tpu.memref_squeeze %dma_wait3A_33 : memref<1x16xf32, #tpu.memory_space<hbm>> -> memref<16xf32, #tpu.memory_space<hbm>>
        tpu.wait_dma2 semaphore(%run_scoped3A : memref<!tpu.dma_semaphore, #tpu.memory_space<semaphore_mem>>) src(%arg6 : memref<16xf32, #tpu.memory_space<vmem>>) dst(%dma_wait3A_34 : memref<16xf32, #tpu.memory_space<hbm>>)
        tpu.yield
      }) : () -> ()
    } else {
    }
    return
  }
}

module attributes {stable_mosaic.version = 14 : i64} {
  func.func @_conv1_body(%arg0: i32, %arg1: memref<4x16x2x32x512xf32, #tpu.memory_space<vmem>>, %arg2: memref<4x512x512xf32, #tpu.memory_space<vmem>>, %arg3: memref<2x512xf32, #tpu.memory_space<vmem>>, %arg4: memref<1024x512xf32, #tpu.memory_space<vmem>>) attributes {dimension_semantics = [#tpu.dimension_semantics<arbitrary>], iteration_bounds = array<i64: 16>, scalar_prefetch = 0 : i64, scratch_operands = 0 : i64, tpu.core_type = #tpu.core_type<tc>, window_params = [{transform_indices = @transform_0, window_bounds = array<i64: 4, 16, 2, 32, 512>}, {pipeline_mode = #tpu.pipeline_mode<synchronous>, transform_indices = @transform_1, window_bounds = array<i64: 4, 512, 512>}, {pipeline_mode = #tpu.pipeline_mode<synchronous>, transform_indices = @transform_2, window_bounds = array<i64: 2, 512>}, {transform_indices = @transform_3, window_bounds = array<i64: 1024, 512>}]} {
    %get3A = arith.constant 0 : index
    %get3A_0 = arith.constant 0 : index
    %get3A_1 = arith.constant 0 : index
    %get3A_2 = arith.constant 0 : index
    %get3A_3 = arith.constant 0 : index
    %get3A_4 = vector.load %arg1[%get3A, %get3A_0, %get3A_1, %get3A_2, %get3A_3] : memref<4x16x2x32x512xf32, #tpu.memory_space<vmem>>, vector<4x16x1x32x512xf32>
    %get3A_5 = vector.shape_cast %get3A_4 : vector<4x16x1x32x512xf32> to vector<4x16x32x512xf32>
    %get3A_6 = arith.constant 0 : index
    %get3A_7 = arith.constant 0 : index
    %get3A_8 = arith.constant 1 : index
    %get3A_9 = arith.constant 0 : index
    %get3A_10 = arith.constant 0 : index
    %get3A_11 = vector.load %arg1[%get3A_6, %get3A_7, %get3A_8, %get3A_9, %get3A_10] : memref<4x16x2x32x512xf32, #tpu.memory_space<vmem>>, vector<4x16x1x32x512xf32>
    %get3A_12 = vector.shape_cast %get3A_11 : vector<4x16x1x32x512xf32> to vector<4x16x32x512xf32>
    %reshape3A = vector.shape_cast %get3A_5 : vector<4x16x32x512xf32> to vector<1024x1024xf32>
    %reshape3A_13 = vector.shape_cast %get3A_12 : vector<4x16x32x512xf32> to vector<1024x1024xf32>
    %slice3A = vector.extract_strided_slice %reshape3A {offsets = [0, 0], sizes = [1024, 512], strides = [1, 1]} : vector<1024x1024xf32> to vector<1024x512xf32>
    %get3A_14 = arith.constant 0 : index
    %get3A_15 = arith.constant 0 : index
    %get3A_16 = arith.constant 0 : index
    %get3A_17 = vector.load %arg2[%get3A_14, %get3A_15, %get3A_16] : memref<4x512x512xf32, #tpu.memory_space<vmem>>, vector<1x512x512xf32>
    %get3A_18 = vector.shape_cast %get3A_17 : vector<1x512x512xf32> to vector<512x512xf32>
    %dot_general3A = arith.constant dense<0.000000e+00> : vector<1024x512xf32>
    %dot_general3A_19 = tpu.matmul %slice3A, %get3A_18, %dot_general3A {dimension_numbers = #tpu.dot_dimension_numbers<[1], [1], [0], [0], [0, 0, 1, 0], [], []>, transpose_lhs_hint = false} : vector<1024x512xf32>, vector<512x512xf32>, vector<1024x512xf32> -> vector<1024x512xf32>
    %slice3A_20 = vector.extract_strided_slice %reshape3A {offsets = [0, 512], sizes = [1024, 512], strides = [1, 1]} : vector<1024x1024xf32> to vector<1024x512xf32>
    %get3A_21 = arith.constant 1 : index
    %get3A_22 = arith.constant 0 : index
    %get3A_23 = arith.constant 0 : index
    %get3A_24 = vector.load %arg2[%get3A_21, %get3A_22, %get3A_23] : memref<4x512x512xf32, #tpu.memory_space<vmem>>, vector<1x512x512xf32>
    %get3A_25 = vector.shape_cast %get3A_24 : vector<1x512x512xf32> to vector<512x512xf32>
    %dot_general3A_26 = arith.constant dense<0.000000e+00> : vector<1024x512xf32>
    %dot_general3A_27 = tpu.matmul %slice3A_20, %get3A_25, %dot_general3A_26 {dimension_numbers = #tpu.dot_dimension_numbers<[1], [1], [0], [0], [0, 0, 1, 0], [], []>, transpose_lhs_hint = false} : vector<1024x512xf32>, vector<512x512xf32>, vector<1024x512xf32> -> vector<1024x512xf32>
    %add3A = arith.addf %dot_general3A_19, %dot_general3A_27 : vector<1024x512xf32>
    %slice3A_28 = vector.extract_strided_slice %reshape3A_13 {offsets = [0, 0], sizes = [1024, 512], strides = [1, 1]} : vector<1024x1024xf32> to vector<1024x512xf32>
    %get3A_29 = arith.constant 2 : index
    %get3A_30 = arith.constant 0 : index
    %get3A_31 = arith.constant 0 : index
    %get3A_32 = vector.load %arg2[%get3A_29, %get3A_30, %get3A_31] : memref<4x512x512xf32, #tpu.memory_space<vmem>>, vector<1x512x512xf32>
    %get3A_33 = vector.shape_cast %get3A_32 : vector<1x512x512xf32> to vector<512x512xf32>
    %dot_general3A_34 = arith.constant dense<0.000000e+00> : vector<1024x512xf32>
    %dot_general3A_35 = tpu.matmul %slice3A_28, %get3A_33, %dot_general3A_34 {dimension_numbers = #tpu.dot_dimension_numbers<[1], [1], [0], [0], [0, 0, 1, 0], [], []>, transpose_lhs_hint = false} : vector<1024x512xf32>, vector<512x512xf32>, vector<1024x512xf32> -> vector<1024x512xf32>
    %add3A_36 = arith.addf %add3A, %dot_general3A_35 : vector<1024x512xf32>
    %slice3A_37 = vector.extract_strided_slice %reshape3A_13 {offsets = [0, 512], sizes = [1024, 512], strides = [1, 1]} : vector<1024x1024xf32> to vector<1024x512xf32>
    %get3A_38 = arith.constant 3 : index
    %get3A_39 = arith.constant 0 : index
    %get3A_40 = arith.constant 0 : index
    %get3A_41 = vector.load %arg2[%get3A_38, %get3A_39, %get3A_40] : memref<4x512x512xf32, #tpu.memory_space<vmem>>, vector<1x512x512xf32>
    %get3A_42 = vector.shape_cast %get3A_41 : vector<1x512x512xf32> to vector<512x512xf32>
    %dot_general3A_43 = arith.constant dense<0.000000e+00> : vector<1024x512xf32>
    %dot_general3A_44 = tpu.matmul %slice3A_37, %get3A_42, %dot_general3A_43 {dimension_numbers = #tpu.dot_dimension_numbers<[1], [1], [0], [0], [0, 0, 1, 0], [], []>, transpose_lhs_hint = false} : vector<1024x512xf32>, vector<512x512xf32>, vector<1024x512xf32> -> vector<1024x512xf32>
    %add3A_45 = arith.addf %add3A_36, %dot_general3A_44 : vector<1024x512xf32>
    %get3A_46 = arith.constant 0 : index
    %get3A_47 = arith.constant 0 : index
    %get3A_48 = vector.load %arg3[%get3A_46, %get3A_47] : memref<2x512xf32, #tpu.memory_space<vmem>>, vector<1x512xf32>
    %mul3A = vector.broadcast %get3A_48 : vector<1x512xf32> to vector<1024x512xf32>
    %mul3A_49 = arith.mulf %add3A_45, %mul3A : vector<1024x512xf32>
    %get3A_50 = arith.constant 1 : index
    %get3A_51 = arith.constant 0 : index
    %get3A_52 = vector.load %arg3[%get3A_50, %get3A_51] : memref<2x512xf32, #tpu.memory_space<vmem>>, vector<1x512xf32>
    %add3A_53 = vector.broadcast %get3A_52 : vector<1x512xf32> to vector<1024x512xf32>
    %add3A_54 = arith.addf %mul3A_49, %add3A_53 : vector<1024x512xf32>
    %ge3A = arith.constant 0.000000e+00 : f32
    %ge3A_55 = vector.broadcast %ge3A : f32 to vector<1024x512xf32>
    %ge3A_56 = arith.cmpf oge, %add3A_54, %ge3A_55 : vector<1024x512xf32>
    %mul3A_57 = arith.constant 2.000000e-01 : f32
    %mul3A_58 = vector.broadcast %mul3A_57 : f32 to vector<1024x512xf32>
    %mul3A_59 = arith.mulf %mul3A_58, %add3A_54 : vector<1024x512xf32>
    %select_n3A = arith.select %ge3A_56, %add3A_54, %mul3A_59 : vector<1024x512xi1>, vector<1024x512xf32>
    %swap3A = arith.constant 0 : index
    %swap3A_60 = arith.constant 0 : index
    %swap3A_61 = vector.load %arg4[%swap3A, %swap3A_60] : memref<1024x512xf32, #tpu.memory_space<vmem>>, vector<1024x512xf32>
    tpu.vector_store %arg4[%swap3A, %swap3A_60], %select_n3A {strides = array<i32>} : memref<1024x512xf32, #tpu.memory_space<vmem>>, vector<1024x512xf32>,
    return
  }
  func.func @transform_0(%arg0: i32) -> (i32, i32, i32, i32, i32) {
    %c0_i32 = arith.constant 0 : i32
    %c0_i32_0 = arith.constant 0 : i32
    %c0_i32_1 = arith.constant 0 : i32
    %c0_i32_2 = arith.constant 0 : i32
    %c0_i32_3 = arith.constant 0 : i32
    return %arg0, %c0_i32, %c0_i32_0, %c0_i32_1, %c0_i32_2 : i32, i32, i32, i32, i32
  }
  func.func @transform_1(%arg0: i32) -> (i32, i32, i32) {
    %c0_i32 = arith.constant 0 : i32
    %c0_i32_0 = arith.constant 0 : i32
    %c0_i32_1 = arith.constant 0 : i32
    %c0_i32_2 = arith.constant 0 : i32
    return %c0_i32, %c0_i32_0, %c0_i32_1 : i32, i32, i32
  }
  func.func @transform_2(%arg0: i32) -> (i32, i32) {
    %c0_i32 = arith.constant 0 : i32
    %c0_i32_0 = arith.constant 0 : i32
    %c0_i32_1 = arith.constant 0 : i32
    return %c0_i32, %c0_i32_0 : i32, i32
  }
  func.func @transform_3(%arg0: i32) -> (i32, i32) {
    %c0_i32 = arith.constant 0 : i32
    %c0_i32_0 = arith.constant 0 : i32
    return %arg0, %c0_i32 : i32, i32
  }
}

module attributes {stable_mosaic.version = 14 : i64} {
  func.func @_conv2_body(%arg0: i32, %arg1: memref<16x8x2x16x512xf32, #tpu.memory_space<vmem>>, %arg2: memref<4x512x512xf32, #tpu.memory_space<vmem>>, %arg3: memref<2x512xf32, #tpu.memory_space<vmem>>, %arg4: memref<16x64x512xf32, #tpu.memory_space<vmem>>) attributes {dimension_semantics = [#tpu.dimension_semantics<arbitrary>], iteration_bounds = array<i64: 4>, scalar_prefetch = 0 : i64, scratch_operands = 0 : i64, tpu.core_type = #tpu.core_type<tc>, window_params = [{transform_indices = @transform_0, window_bounds = array<i64: 16, 8, 2, 16, 512>}, {pipeline_mode = #tpu.pipeline_mode<synchronous>, transform_indices = @transform_1, window_bounds = array<i64: 4, 512, 512>}, {pipeline_mode = #tpu.pipeline_mode<synchronous>, transform_indices = @transform_2, window_bounds = array<i64: 2, 512>}, {transform_indices = @transform_3, window_bounds = array<i64: 16, 64, 512>}]} {
    %get3A = arith.constant 0 : index
    %get3A_0 = arith.constant 0 : index
    %get3A_1 = arith.constant 0 : index
    %get3A_2 = arith.constant 0 : index
    %get3A_3 = arith.constant 0 : index
    %get3A_4 = vector.load %arg1[%get3A, %get3A_0, %get3A_1, %get3A_2, %get3A_3] : memref<16x8x2x16x512xf32, #tpu.memory_space<vmem>>, vector<16x8x1x16x512xf32>
    %get3A_5 = vector.shape_cast %get3A_4 : vector<16x8x1x16x512xf32> to vector<16x8x16x512xf32>
    %get3A_6 = arith.constant 0 : index
    %get3A_7 = arith.constant 0 : index
    %get3A_8 = arith.constant 1 : index
    %get3A_9 = arith.constant 0 : index
    %get3A_10 = arith.constant 0 : index
    %get3A_11 = vector.load %arg1[%get3A_6, %get3A_7, %get3A_8, %get3A_9, %get3A_10] : memref<16x8x2x16x512xf32, #tpu.memory_space<vmem>>, vector<16x8x1x16x512xf32>
    %get3A_12 = vector.shape_cast %get3A_11 : vector<16x8x1x16x512xf32> to vector<16x8x16x512xf32>
    %reshape3A = vector.shape_cast %get3A_5 : vector<16x8x16x512xf32> to vector<1024x1024xf32>
    %reshape3A_13 = vector.shape_cast %get3A_12 : vector<16x8x16x512xf32> to vector<1024x1024xf32>
    %slice3A = vector.extract_strided_slice %reshape3A {offsets = [0, 0], sizes = [1024, 512], strides = [1, 1]} : vector<1024x1024xf32> to vector<1024x512xf32>
    %get3A_14 = arith.constant 0 : index
    %get3A_15 = arith.constant 0 : index
    %get3A_16 = arith.constant 0 : index
    %get3A_17 = vector.load %arg2[%get3A_14, %get3A_15, %get3A_16] : memref<4x512x512xf32, #tpu.memory_space<vmem>>, vector<1x512x512xf32>
    %get3A_18 = vector.shape_cast %get3A_17 : vector<1x512x512xf32> to vector<512x512xf32>
    %dot_general3A = arith.constant dense<0.000000e+00> : vector<1024x512xf32>
    %dot_general3A_19 = tpu.matmul %slice3A, %get3A_18, %dot_general3A {dimension_numbers = #tpu.dot_dimension_numbers<[1], [1], [0], [0], [0, 0, 1, 0], [], []>, transpose_lhs_hint = false} : vector<1024x512xf32>, vector<512x512xf32>, vector<1024x512xf32> -> vector<1024x512xf32>
    %slice3A_20 = vector.extract_strided_slice %reshape3A {offsets = [0, 512], sizes = [1024, 512], strides = [1, 1]} : vector<1024x1024xf32> to vector<1024x512xf32>
    %get3A_21 = arith.constant 1 : index
    %get3A_22 = arith.constant 0 : index
    %get3A_23 = arith.constant 0 : index
    %get3A_24 = vector.load %arg2[%get3A_21, %get3A_22, %get3A_23] : memref<4x512x512xf32, #tpu.memory_space<vmem>>, vector<1x512x512xf32>
    %get3A_25 = vector.shape_cast %get3A_24 : vector<1x512x512xf32> to vector<512x512xf32>
    %dot_general3A_26 = arith.constant dense<0.000000e+00> : vector<1024x512xf32>
    %dot_general3A_27 = tpu.matmul %slice3A_20, %get3A_25, %dot_general3A_26 {dimension_numbers = #tpu.dot_dimension_numbers<[1], [1], [0], [0], [0, 0, 1, 0], [], []>, transpose_lhs_hint = false} : vector<1024x512xf32>, vector<512x512xf32>, vector<1024x512xf32> -> vector<1024x512xf32>
    %add3A = arith.addf %dot_general3A_19, %dot_general3A_27 : vector<1024x512xf32>
    %slice3A_28 = vector.extract_strided_slice %reshape3A_13 {offsets = [0, 0], sizes = [1024, 512], strides = [1, 1]} : vector<1024x1024xf32> to vector<1024x512xf32>
    %get3A_29 = arith.constant 2 : index
    %get3A_30 = arith.constant 0 : index
    %get3A_31 = arith.constant 0 : index
    %get3A_32 = vector.load %arg2[%get3A_29, %get3A_30, %get3A_31] : memref<4x512x512xf32, #tpu.memory_space<vmem>>, vector<1x512x512xf32>
    %get3A_33 = vector.shape_cast %get3A_32 : vector<1x512x512xf32> to vector<512x512xf32>
    %dot_general3A_34 = arith.constant dense<0.000000e+00> : vector<1024x512xf32>
    %dot_general3A_35 = tpu.matmul %slice3A_28, %get3A_33, %dot_general3A_34 {dimension_numbers = #tpu.dot_dimension_numbers<[1], [1], [0], [0], [0, 0, 1, 0], [], []>, transpose_lhs_hint = false} : vector<1024x512xf32>, vector<512x512xf32>, vector<1024x512xf32> -> vector<1024x512xf32>
    %add3A_36 = arith.addf %add3A, %dot_general3A_35 : vector<1024x512xf32>
    %slice3A_37 = vector.extract_strided_slice %reshape3A_13 {offsets = [0, 512], sizes = [1024, 512], strides = [1, 1]} : vector<1024x1024xf32> to vector<1024x512xf32>
    %get3A_38 = arith.constant 3 : index
    %get3A_39 = arith.constant 0 : index
    %get3A_40 = arith.constant 0 : index
    %get3A_41 = vector.load %arg2[%get3A_38, %get3A_39, %get3A_40] : memref<4x512x512xf32, #tpu.memory_space<vmem>>, vector<1x512x512xf32>
    %get3A_42 = vector.shape_cast %get3A_41 : vector<1x512x512xf32> to vector<512x512xf32>
    %dot_general3A_43 = arith.constant dense<0.000000e+00> : vector<1024x512xf32>
    %dot_general3A_44 = tpu.matmul %slice3A_37, %get3A_42, %dot_general3A_43 {dimension_numbers = #tpu.dot_dimension_numbers<[1], [1], [0], [0], [0, 0, 1, 0], [], []>, transpose_lhs_hint = false} : vector<1024x512xf32>, vector<512x512xf32>, vector<1024x512xf32> -> vector<1024x512xf32>
    %add3A_45 = arith.addf %add3A_36, %dot_general3A_44 : vector<1024x512xf32>
    %get3A_46 = arith.constant 0 : index
    %get3A_47 = arith.constant 0 : index
    %get3A_48 = vector.load %arg3[%get3A_46, %get3A_47] : memref<2x512xf32, #tpu.memory_space<vmem>>, vector<1x512xf32>
    %mul3A = vector.broadcast %get3A_48 : vector<1x512xf32> to vector<1024x512xf32>
    %mul3A_49 = arith.mulf %add3A_45, %mul3A : vector<1024x512xf32>
    %get3A_50 = arith.constant 1 : index
    %get3A_51 = arith.constant 0 : index
    %get3A_52 = vector.load %arg3[%get3A_50, %get3A_51] : memref<2x512xf32, #tpu.memory_space<vmem>>, vector<1x512xf32>
    %add3A_53 = vector.broadcast %get3A_52 : vector<1x512xf32> to vector<1024x512xf32>
    %add3A_54 = arith.addf %mul3A_49, %add3A_53 : vector<1024x512xf32>
    %ge3A = arith.constant 0.000000e+00 : f32
    %ge3A_55 = vector.broadcast %ge3A : f32 to vector<1024x512xf32>
    %ge3A_56 = arith.cmpf oge, %add3A_54, %ge3A_55 : vector<1024x512xf32>
    %mul3A_57 = arith.constant 2.000000e-01 : f32
    %mul3A_58 = vector.broadcast %mul3A_57 : f32 to vector<1024x512xf32>
    %mul3A_59 = arith.mulf %mul3A_58, %add3A_54 : vector<1024x512xf32>
    %select_n3A = arith.select %ge3A_56, %add3A_54, %mul3A_59 : vector<1024x512xi1>, vector<1024x512xf32>
    %reshape3A_60 = vector.shape_cast %select_n3A : vector<1024x512xf32> to vector<2x8x8x8x512xf32>
    %transpose3A = tpu.transpose %reshape3A_60, [0, 2, 1, 3, 4] : vector<2x8x8x8x512xf32> -> vector<2x8x8x8x512xf32>
    %reshape3A_61 = vector.shape_cast %transpose3A : vector<2x8x8x8x512xf32> to vector<16x64x512xf32>
    %swap3A = arith.constant 0 : index
    %swap3A_62 = arith.constant 0 : index
    %swap3A_63 = arith.constant 0 : index
    %swap3A_64 = vector.load %arg4[%swap3A, %swap3A_62, %swap3A_63] : memref<16x64x512xf32, #tpu.memory_space<vmem>>, vector<16x64x512xf32>
    tpu.vector_store %arg4[%swap3A, %swap3A_62, %swap3A_63], %reshape3A_61 {strides = array<i32>} : memref<16x64x512xf32, #tpu.memory_space<vmem>>, vector<16x64x512xf32>,
    return
  }
  func.func @transform_0(%arg0: i32) -> (i32, i32, i32, i32, i32) {
    %c0_i32 = arith.constant 0 : i32
    %c0_i32_0 = arith.constant 0 : i32
    %c0_i32_1 = arith.constant 0 : i32
    %c0_i32_2 = arith.constant 0 : i32
    %c0_i32_3 = arith.constant 0 : i32
    return %arg0, %c0_i32, %c0_i32_0, %c0_i32_1, %c0_i32_2 : i32, i32, i32, i32, i32
  }
  func.func @transform_1(%arg0: i32) -> (i32, i32, i32) {
    %c0_i32 = arith.constant 0 : i32
    %c0_i32_0 = arith.constant 0 : i32
    %c0_i32_1 = arith.constant 0 : i32
    %c0_i32_2 = arith.constant 0 : i32
    return %c0_i32, %c0_i32_0, %c0_i32_1 : i32, i32, i32
  }
  func.func @transform_2(%arg0: i32) -> (i32, i32) {
    %c0_i32 = arith.constant 0 : i32
    %c0_i32_0 = arith.constant 0 : i32
    %c0_i32_1 = arith.constant 0 : i32
    return %c0_i32, %c0_i32_0 : i32, i32
  }
  func.func @transform_3(%arg0: i32) -> (i32, i32, i32) {
    %c0_i32 = arith.constant 0 : i32
    %c0_i32_0 = arith.constant 0 : i32
    %c0_i32_1 = arith.constant 0 : i32
    return %arg0, %c0_i32, %c0_i32_0 : i32, i32, i32
  }
}

module attributes {stable_mosaic.version = 14 : i64} {
  func.func @_tail_body(%arg0: memref<1x32x2x64x512xf32, #tpu.memory_space<vmem>>, %arg1: memref<4x512x512xf32, #tpu.memory_space<vmem>>, %arg2: memref<2x512xf32, #tpu.memory_space<vmem>>, %arg3: memref<4x512x512xf32, #tpu.memory_space<vmem>>, %arg4: memref<2x512xf32, #tpu.memory_space<vmem>>, %arg5: memref<4x512x512xf32, #tpu.memory_space<vmem>>, %arg6: memref<2x512xf32, #tpu.memory_space<vmem>>, %arg7: memref<1x512xf32, #tpu.memory_space<vmem>>, %arg8: memref<1x1xf32, #tpu.memory_space<vmem>>, %arg9: memref<16x8xf32, #tpu.memory_space<vmem>>, %arg10: memref<16x8xf32, #tpu.memory_space<vmem>>, %arg11: memref<8x128xf32, #tpu.memory_space<vmem>>, %arg12: memref<4x128xf32, #tpu.memory_space<vmem>>) attributes {dimension_semantics = [], scalar_prefetch = 0 : i64, scratch_operands = 0 : i64, tpu.core_type = #tpu.core_type<tc>} {
    %get3A = arith.constant 0 : index
    %get3A_0 = arith.constant 0 : index
    %get3A_1 = arith.constant 0 : index
    %get3A_2 = arith.constant 0 : index
    %get3A_3 = arith.constant 0 : index
    %get3A_4 = vector.load %arg0[%get3A, %get3A_0, %get3A_1, %get3A_2, %get3A_3] : memref<1x32x2x64x512xf32, #tpu.memory_space<vmem>>, vector<1x32x1x64x512xf32>
    %get3A_5 = vector.shape_cast %get3A_4 : vector<1x32x1x64x512xf32> to vector<1x32x64x512xf32>
    %get3A_6 = arith.constant 0 : index
    %get3A_7 = arith.constant 0 : index
    %get3A_8 = arith.constant 1 : index
    %get3A_9 = arith.constant 0 : index
    %get3A_10 = arith.constant 0 : index
    %get3A_11 = vector.load %arg0[%get3A_6, %get3A_7, %get3A_8, %get3A_9, %get3A_10] : memref<1x32x2x64x512xf32, #tpu.memory_space<vmem>>, vector<1x32x1x64x512xf32>
    %get3A_12 = vector.shape_cast %get3A_11 : vector<1x32x1x64x512xf32> to vector<1x32x64x512xf32>
    %reshape3A = vector.shape_cast %get3A_5 : vector<1x32x64x512xf32> to vector<1024x1024xf32>
    %reshape3A_13 = vector.shape_cast %get3A_12 : vector<1x32x64x512xf32> to vector<1024x1024xf32>
    %slice3A = vector.extract_strided_slice %reshape3A {offsets = [0, 0], sizes = [1024, 512], strides = [1, 1]} : vector<1024x1024xf32> to vector<1024x512xf32>
    %get3A_14 = arith.constant 0 : index
    %get3A_15 = arith.constant 0 : index
    %get3A_16 = arith.constant 0 : index
    %get3A_17 = vector.load %arg1[%get3A_14, %get3A_15, %get3A_16] : memref<4x512x512xf32, #tpu.memory_space<vmem>>, vector<1x512x512xf32>
    %get3A_18 = vector.shape_cast %get3A_17 : vector<1x512x512xf32> to vector<512x512xf32>
    %dot_general3A = arith.constant dense<0.000000e+00> : vector<1024x512xf32>
    %dot_general3A_19 = tpu.matmul %slice3A, %get3A_18, %dot_general3A {dimension_numbers = #tpu.dot_dimension_numbers<[1], [1], [0], [0], [0, 0, 1, 0], [], []>, transpose_lhs_hint = false} : vector<1024x512xf32>, vector<512x512xf32>, vector<1024x512xf32> -> vector<1024x512xf32>
    %slice3A_20 = vector.extract_strided_slice %reshape3A {offsets = [0, 512], sizes = [1024, 512], strides = [1, 1]} : vector<1024x1024xf32> to vector<1024x512xf32>
    %get3A_21 = arith.constant 1 : index
    %get3A_22 = arith.constant 0 : index
    %get3A_23 = arith.constant 0 : index
    %get3A_24 = vector.load %arg1[%get3A_21, %get3A_22, %get3A_23] : memref<4x512x512xf32, #tpu.memory_space<vmem>>, vector<1x512x512xf32>
    %get3A_25 = vector.shape_cast %get3A_24 : vector<1x512x512xf32> to vector<512x512xf32>
    %dot_general3A_26 = arith.constant dense<0.000000e+00> : vector<1024x512xf32>
    %dot_general3A_27 = tpu.matmul %slice3A_20, %get3A_25, %dot_general3A_26 {dimension_numbers = #tpu.dot_dimension_numbers<[1], [1], [0], [0], [0, 0, 1, 0], [], []>, transpose_lhs_hint = false} : vector<1024x512xf32>, vector<512x512xf32>, vector<1024x512xf32> -> vector<1024x512xf32>
    %add3A = arith.addf %dot_general3A_19, %dot_general3A_27 : vector<1024x512xf32>
    %slice3A_28 = vector.extract_strided_slice %reshape3A_13 {offsets = [0, 0], sizes = [1024, 512], strides = [1, 1]} : vector<1024x1024xf32> to vector<1024x512xf32>
    %get3A_29 = arith.constant 2 : index
    %get3A_30 = arith.constant 0 : index
    %get3A_31 = arith.constant 0 : index
    %get3A_32 = vector.load %arg1[%get3A_29, %get3A_30, %get3A_31] : memref<4x512x512xf32, #tpu.memory_space<vmem>>, vector<1x512x512xf32>
    %get3A_33 = vector.shape_cast %get3A_32 : vector<1x512x512xf32> to vector<512x512xf32>
    %dot_general3A_34 = arith.constant dense<0.000000e+00> : vector<1024x512xf32>
    %dot_general3A_35 = tpu.matmul %slice3A_28, %get3A_33, %dot_general3A_34 {dimension_numbers = #tpu.dot_dimension_numbers<[1], [1], [0], [0], [0, 0, 1, 0], [], []>, transpose_lhs_hint = false} : vector<1024x512xf32>, vector<512x512xf32>, vector<1024x512xf32> -> vector<1024x512xf32>
    %add3A_36 = arith.addf %add3A, %dot_general3A_35 : vector<1024x512xf32>
    %slice3A_37 = vector.extract_strided_slice %reshape3A_13 {offsets = [0, 512], sizes = [1024, 512], strides = [1, 1]} : vector<1024x1024xf32> to vector<1024x512xf32>
    %get3A_38 = arith.constant 3 : index
    %get3A_39 = arith.constant 0 : index
    %get3A_40 = arith.constant 0 : index
    %get3A_41 = vector.load %arg1[%get3A_38, %get3A_39, %get3A_40] : memref<4x512x512xf32, #tpu.memory_space<vmem>>, vector<1x512x512xf32>
    %get3A_42 = vector.shape_cast %get3A_41 : vector<1x512x512xf32> to vector<512x512xf32>
    %dot_general3A_43 = arith.constant dense<0.000000e+00> : vector<1024x512xf32>
    %dot_general3A_44 = tpu.matmul %slice3A_37, %get3A_42, %dot_general3A_43 {dimension_numbers = #tpu.dot_dimension_numbers<[1], [1], [0], [0], [0, 0, 1, 0], [], []>, transpose_lhs_hint = false} : vector<1024x512xf32>, vector<512x512xf32>, vector<1024x512xf32> -> vector<1024x512xf32>
    %add3A_45 = arith.addf %add3A_36, %dot_general3A_44 : vector<1024x512xf32>
    %get3A_46 = arith.constant 0 : index
    %get3A_47 = arith.constant 0 : index
    %get3A_48 = vector.load %arg2[%get3A_46, %get3A_47] : memref<2x512xf32, #tpu.memory_space<vmem>>, vector<1x512xf32>
    %mul3A = vector.broadcast %get3A_48 : vector<1x512xf32> to vector<1024x512xf32>
    %mul3A_49 = arith.mulf %add3A_45, %mul3A : vector<1024x512xf32>
    %get3A_50 = arith.constant 1 : index
    %get3A_51 = arith.constant 0 : index
    %get3A_52 = vector.load %arg2[%get3A_50, %get3A_51] : memref<2x512xf32, #tpu.memory_space<vmem>>, vector<1x512xf32>
    %add3A_53 = vector.broadcast %get3A_52 : vector<1x512xf32> to vector<1024x512xf32>
    %add3A_54 = arith.addf %mul3A_49, %add3A_53 : vector<1024x512xf32>
    %ge3A = arith.constant 0.000000e+00 : f32
    %ge3A_55 = vector.broadcast %ge3A : f32 to vector<1024x512xf32>
    %ge3A_56 = arith.cmpf oge, %add3A_54, %ge3A_55 : vector<1024x512xf32>
    %mul3A_57 = arith.constant 2.000000e-01 : f32
    %mul3A_58 = vector.broadcast %mul3A_57 : f32 to vector<1024x512xf32>
    %mul3A_59 = arith.mulf %mul3A_58, %add3A_54 : vector<1024x512xf32>
    %select_n3A = arith.select %ge3A_56, %add3A_54, %mul3A_59 : vector<1024x512xi1>, vector<1024x512xf32>
    %reshape3A_60 = vector.shape_cast %select_n3A : vector<1024x512xf32> to vector<16x2x32x512xf32>
    %slice3A_61 = vector.extract_strided_slice %reshape3A_60 {offsets = [0, 0, 0, 0], sizes = [16, 1, 32, 512], strides = [1, 1, 1, 1]} : vector<16x2x32x512xf32> to vector<16x1x32x512xf32>
    %squeeze3A = vector.shape_cast %slice3A_61 : vector<16x1x32x512xf32> to vector<16x32x512xf32>
    %reshape3A_62 = vector.shape_cast %squeeze3A : vector<16x32x512xf32> to vector<256x1024xf32>
    %reshape3A_63 = vector.shape_cast %select_n3A : vector<1024x512xf32> to vector<16x2x32x512xf32>
    %slice3A_64 = vector.extract_strided_slice %reshape3A_63 {offsets = [0, 1, 0, 0], sizes = [16, 1, 32, 512], strides = [1, 1, 1, 1]} : vector<16x2x32x512xf32> to vector<16x1x32x512xf32>
    %squeeze3A_65 = vector.shape_cast %slice3A_64 : vector<16x1x32x512xf32> to vector<16x32x512xf32>
    %reshape3A_66 = vector.shape_cast %squeeze3A_65 : vector<16x32x512xf32> to vector<256x1024xf32>
    %slice3A_67 = vector.extract_strided_slice %reshape3A_62 {offsets = [0, 0], sizes = [256, 512], strides = [1, 1]} : vector<256x1024xf32> to vector<256x512xf32>
    %get3A_68 = arith.constant 0 : index
    %get3A_69 = arith.constant 0 : index
    %get3A_70 = arith.constant 0 : index
    %get3A_71 = vector.load %arg3[%get3A_68, %get3A_69, %get3A_70] : memref<4x512x512xf32, #tpu.memory_space<vmem>>, vector<1x512x512xf32>
    %get3A_72 = vector.shape_cast %get3A_71 : vector<1x512x512xf32> to vector<512x512xf32>
    %dot_general3A_73 = arith.constant dense<0.000000e+00> : vector<256x512xf32>
    %dot_general3A_74 = tpu.matmul %slice3A_67, %get3A_72, %dot_general3A_73 {dimension_numbers = #tpu.dot_dimension_numbers<[1], [1], [0], [0], [0, 0, 1, 0], [], []>, transpose_lhs_hint = false} : vector<256x512xf32>, vector<512x512xf32>, vector<256x512xf32> -> vector<256x512xf32>
    %slice3A_75 = vector.extract_strided_slice %reshape3A_62 {offsets = [0, 512], sizes = [256, 512], strides = [1, 1]} : vector<256x1024xf32> to vector<256x512xf32>
    %get3A_76 = arith.constant 1 : index
    %get3A_77 = arith.constant 0 : index
    %get3A_78 = arith.constant 0 : index
    %get3A_79 = vector.load %arg3[%get3A_76, %get3A_77, %get3A_78] : memref<4x512x512xf32, #tpu.memory_space<vmem>>, vector<1x512x512xf32>
    %get3A_80 = vector.shape_cast %get3A_79 : vector<1x512x512xf32> to vector<512x512xf32>
    %dot_general3A_81 = arith.constant dense<0.000000e+00> : vector<256x512xf32>
    %dot_general3A_82 = tpu.matmul %slice3A_75, %get3A_80, %dot_general3A_81 {dimension_numbers = #tpu.dot_dimension_numbers<[1], [1], [0], [0], [0, 0, 1, 0], [], []>, transpose_lhs_hint = false} : vector<256x512xf32>, vector<512x512xf32>, vector<256x512xf32> -> vector<256x512xf32>
    %add3A_83 = arith.addf %dot_general3A_74, %dot_general3A_82 : vector<256x512xf32>
    %slice3A_84 = vector.extract_strided_slice %reshape3A_66 {offsets = [0, 0], sizes = [256, 512], strides = [1, 1]} : vector<256x1024xf32> to vector<256x512xf32>
    %get3A_85 = arith.constant 2 : index
    %get3A_86 = arith.constant 0 : index
    %get3A_87 = arith.constant 0 : index
    %get3A_88 = vector.load %arg3[%get3A_85, %get3A_86, %get3A_87] : memref<4x512x512xf32, #tpu.memory_space<vmem>>, vector<1x512x512xf32>
    %get3A_89 = vector.shape_cast %get3A_88 : vector<1x512x512xf32> to vector<512x512xf32>
    %dot_general3A_90 = arith.constant dense<0.000000e+00> : vector<256x512xf32>
    %dot_general3A_91 = tpu.matmul %slice3A_84, %get3A_89, %dot_general3A_90 {dimension_numbers = #tpu.dot_dimension_numbers<[1], [1], [0], [0], [0, 0, 1, 0], [], []>, transpose_lhs_hint = false} : vector<256x512xf32>, vector<512x512xf32>, vector<256x512xf32> -> vector<256x512xf32>
    %add3A_92 = arith.addf %add3A_83, %dot_general3A_91 : vector<256x512xf32>
    %slice3A_93 = vector.extract_strided_slice %reshape3A_66 {offsets = [0, 512], sizes = [256, 512], strides = [1, 1]} : vector<256x1024xf32> to vector<256x512xf32>
    %get3A_94 = arith.constant 3 : index
    %get3A_95 = arith.constant 0 : index
    %get3A_96 = arith.constant 0 : index
    %get3A_97 = vector.load %arg3[%get3A_94, %get3A_95, %get3A_96] : memref<4x512x512xf32, #tpu.memory_space<vmem>>, vector<1x512x512xf32>
    %get3A_98 = vector.shape_cast %get3A_97 : vector<1x512x512xf32> to vector<512x512xf32>
    %dot_general3A_99 = arith.constant dense<0.000000e+00> : vector<256x512xf32>
    %dot_general3A_100 = tpu.matmul %slice3A_93, %get3A_98, %dot_general3A_99 {dimension_numbers = #tpu.dot_dimension_numbers<[1], [1], [0], [0], [0, 0, 1, 0], [], []>, transpose_lhs_hint = false} : vector<256x512xf32>, vector<512x512xf32>, vector<256x512xf32> -> vector<256x512xf32>
    %add3A_101 = arith.addf %add3A_92, %dot_general3A_100 : vector<256x512xf32>
    %get3A_102 = arith.constant 0 : index
    %get3A_103 = arith.constant 0 : index
    %get3A_104 = vector.load %arg4[%get3A_102, %get3A_103] : memref<2x512xf32, #tpu.memory_space<vmem>>, vector<1x512xf32>
    %mul3A_105 = vector.broadcast %get3A_104 : vector<1x512xf32> to vector<256x512xf32>
    %mul3A_106 = arith.mulf %add3A_101, %mul3A_105 : vector<256x512xf32>
    %get3A_107 = arith.constant 1 : index
    %get3A_108 = arith.constant 0 : index
    %get3A_109 = vector.load %arg4[%get3A_107, %get3A_108] : memref<2x512xf32, #tpu.memory_space<vmem>>, vector<1x512xf32>
    %add3A_110 = vector.broadcast %get3A_109 : vector<1x512xf32> to vector<256x512xf32>
    %add3A_111 = arith.addf %mul3A_106, %add3A_110 : vector<256x512xf32>
    %ge3A_112 = arith.constant 0.000000e+00 : f32
    %ge3A_113 = vector.broadcast %ge3A_112 : f32 to vector<256x512xf32>
    %ge3A_114 = arith.cmpf oge, %add3A_111, %ge3A_113 : vector<256x512xf32>
    %mul3A_115 = arith.constant 2.000000e-01 : f32
    %mul3A_116 = vector.broadcast %mul3A_115 : f32 to vector<256x512xf32>
    %mul3A_117 = arith.mulf %mul3A_116, %add3A_111 : vector<256x512xf32>
    %select_n3A_118 = arith.select %ge3A_114, %add3A_111, %mul3A_117 : vector<256x512xi1>, vector<256x512xf32>
    %reshape3A_119 = vector.shape_cast %select_n3A_118 : vector<256x512xf32> to vector<8x2x16x512xf32>
    %slice3A_120 = vector.extract_strided_slice %reshape3A_119 {offsets = [0, 0, 0, 0], sizes = [8, 1, 16, 512], strides = [1, 1, 1, 1]} : vector<8x2x16x512xf32> to vector<8x1x16x512xf32>
    %squeeze3A_121 = vector.shape_cast %slice3A_120 : vector<8x1x16x512xf32> to vector<8x16x512xf32>
    %reshape3A_122 = vector.shape_cast %squeeze3A_121 : vector<8x16x512xf32> to vector<64x1024xf32>
    %reshape3A_123 = vector.shape_cast %select_n3A_118 : vector<256x512xf32> to vector<8x2x16x512xf32>
    %slice3A_124 = vector.extract_strided_slice %reshape3A_123 {offsets = [0, 1, 0, 0], sizes = [8, 1, 16, 512], strides = [1, 1, 1, 1]} : vector<8x2x16x512xf32> to vector<8x1x16x512xf32>
    %squeeze3A_125 = vector.shape_cast %slice3A_124 : vector<8x1x16x512xf32> to vector<8x16x512xf32>
    %reshape3A_126 = vector.shape_cast %squeeze3A_125 : vector<8x16x512xf32> to vector<64x1024xf32>
    %slice3A_127 = vector.extract_strided_slice %reshape3A_122 {offsets = [0, 0], sizes = [64, 512], strides = [1, 1]} : vector<64x1024xf32> to vector<64x512xf32>
    %get3A_128 = arith.constant 0 : index
    %get3A_129 = arith.constant 0 : index
    %get3A_130 = arith.constant 0 : index
    %get3A_131 = vector.load %arg5[%get3A_128, %get3A_129, %get3A_130] : memref<4x512x512xf32, #tpu.memory_space<vmem>>, vector<1x512x512xf32>
    %get3A_132 = vector.shape_cast %get3A_131 : vector<1x512x512xf32> to vector<512x512xf32>
    %dot_general3A_133 = arith.constant dense<0.000000e+00> : vector<64x512xf32>
    %dot_general3A_134 = tpu.matmul %slice3A_127, %get3A_132, %dot_general3A_133 {dimension_numbers = #tpu.dot_dimension_numbers<[1], [1], [0], [0], [0, 0, 1, 0], [], []>, transpose_lhs_hint = false} : vector<64x512xf32>, vector<512x512xf32>, vector<64x512xf32> -> vector<64x512xf32>
    %slice3A_135 = vector.extract_strided_slice %reshape3A_122 {offsets = [0, 512], sizes = [64, 512], strides = [1, 1]} : vector<64x1024xf32> to vector<64x512xf32>
    %get3A_136 = arith.constant 1 : index
    %get3A_137 = arith.constant 0 : index
    %get3A_138 = arith.constant 0 : index
    %get3A_139 = vector.load %arg5[%get3A_136, %get3A_137, %get3A_138] : memref<4x512x512xf32, #tpu.memory_space<vmem>>, vector<1x512x512xf32>
    %get3A_140 = vector.shape_cast %get3A_139 : vector<1x512x512xf32> to vector<512x512xf32>
    %dot_general3A_141 = arith.constant dense<0.000000e+00> : vector<64x512xf32>
    %dot_general3A_142 = tpu.matmul %slice3A_135, %get3A_140, %dot_general3A_141 {dimension_numbers = #tpu.dot_dimension_numbers<[1], [1], [0], [0], [0, 0, 1, 0], [], []>, transpose_lhs_hint = false} : vector<64x512xf32>, vector<512x512xf32>, vector<64x512xf32> -> vector<64x512xf32>
    %add3A_143 = arith.addf %dot_general3A_134, %dot_general3A_142 : vector<64x512xf32>
    %slice3A_144 = vector.extract_strided_slice %reshape3A_126 {offsets = [0, 0], sizes = [64, 512], strides = [1, 1]} : vector<64x1024xf32> to vector<64x512xf32>
    %get3A_145 = arith.constant 2 : index
    %get3A_146 = arith.constant 0 : index
    %get3A_147 = arith.constant 0 : index
    %get3A_148 = vector.load %arg5[%get3A_145, %get3A_146, %get3A_147] : memref<4x512x512xf32, #tpu.memory_space<vmem>>, vector<1x512x512xf32>
    %get3A_149 = vector.shape_cast %get3A_148 : vector<1x512x512xf32> to vector<512x512xf32>
    %dot_general3A_150 = arith.constant dense<0.000000e+00> : vector<64x512xf32>
    %dot_general3A_151 = tpu.matmul %slice3A_144, %get3A_149, %dot_general3A_150 {dimension_numbers = #tpu.dot_dimension_numbers<[1], [1], [0], [0], [0, 0, 1, 0], [], []>, transpose_lhs_hint = false} : vector<64x512xf32>, vector<512x512xf32>, vector<64x512xf32> -> vector<64x512xf32>
    %add3A_152 = arith.addf %add3A_143, %dot_general3A_151 : vector<64x512xf32>
    %slice3A_153 = vector.extract_strided_slice %reshape3A_126 {offsets = [0, 512], sizes = [64, 512], strides = [1, 1]} : vector<64x1024xf32> to vector<64x512xf32>
    %get3A_154 = arith.constant 3 : index
    %get3A_155 = arith.constant 0 : index
    %get3A_156 = arith.constant 0 : index
    %get3A_157 = vector.load %arg5[%get3A_154, %get3A_155, %get3A_156] : memref<4x512x512xf32, #tpu.memory_space<vmem>>, vector<1x512x512xf32>
    %get3A_158 = vector.shape_cast %get3A_157 : vector<1x512x512xf32> to vector<512x512xf32>
    %dot_general3A_159 = arith.constant dense<0.000000e+00> : vector<64x512xf32>
    %dot_general3A_160 = tpu.matmul %slice3A_153, %get3A_158, %dot_general3A_159 {dimension_numbers = #tpu.dot_dimension_numbers<[1], [1], [0], [0], [0, 0, 1, 0], [], []>, transpose_lhs_hint = false} : vector<64x512xf32>, vector<512x512xf32>, vector<64x512xf32> -> vector<64x512xf32>
    %add3A_161 = arith.addf %add3A_152, %dot_general3A_160 : vector<64x512xf32>
    %get3A_162 = arith.constant 0 : index
    %get3A_163 = arith.constant 0 : index
    %get3A_164 = vector.load %arg6[%get3A_162, %get3A_163] : memref<2x512xf32, #tpu.memory_space<vmem>>, vector<1x512xf32>
    %mul3A_165 = vector.broadcast %get3A_164 : vector<1x512xf32> to vector<64x512xf32>
    %mul3A_166 = arith.mulf %add3A_161, %mul3A_165 : vector<64x512xf32>
    %get3A_167 = arith.constant 1 : index
    %get3A_168 = arith.constant 0 : index
    %get3A_169 = vector.load %arg6[%get3A_167, %get3A_168] : memref<2x512xf32, #tpu.memory_space<vmem>>, vector<1x512xf32>
    %add3A_170 = vector.broadcast %get3A_169 : vector<1x512xf32> to vector<64x512xf32>
    %add3A_171 = arith.addf %mul3A_166, %add3A_170 : vector<64x512xf32>
    %ge3A_172 = arith.constant 0.000000e+00 : f32
    %ge3A_173 = vector.broadcast %ge3A_172 : f32 to vector<64x512xf32>
    %ge3A_174 = arith.cmpf oge, %add3A_171, %ge3A_173 : vector<64x512xf32>
    %mul3A_175 = arith.constant 2.000000e-01 : f32
    %mul3A_176 = vector.broadcast %mul3A_175 : f32 to vector<64x512xf32>
    %mul3A_177 = arith.mulf %mul3A_176, %add3A_171 : vector<64x512xf32>
    %select_n3A_178 = arith.select %ge3A_174, %add3A_171, %mul3A_177 : vector<64x512xi1>, vector<64x512xf32>
    %get3A_179 = arith.constant 0 : index
    %get3A_180 = arith.constant 0 : index
    %get3A_181 = vector.load %arg7[%get3A_179, %get3A_180] : memref<1x512xf32, #tpu.memory_space<vmem>>, vector<1x512xf32>
    %mul3A_182 = vector.broadcast %get3A_181 : vector<1x512xf32> to vector<64x512xf32>
    %mul3A_183 = arith.mulf %select_n3A_178, %mul3A_182 : vector<64x512xf32>
    %reduce_sum3A = arith.constant dense<0.000000e+00> : vector<64xf32>
    %reduce_sum3A_184 = vector.multi_reduction <add>, %mul3A_183, %reduce_sum3A [1] : vector<64x512xf32> to vector<64xf32>
    %broadcast_in_dim3A = vector.shape_cast %reduce_sum3A_184 : vector<64xf32> to vector<64x1xf32>
    %get3A_185 = arith.constant 0 : index
    %get3A_186 = arith.constant 0 : index
    %get3A_187 = vector.load %arg8[%get3A_185, %get3A_186] : memref<1x1xf32, #tpu.memory_space<vmem>>, vector<1x1xf32>
    %add3A_188 = vector.broadcast %get3A_187 : vector<1x1xf32> to vector<64x1xf32>
    %add3A_189 = arith.addf %broadcast_in_dim3A, %add3A_188 : vector<64x1xf32>
    %reshape3A_190 = vector.shape_cast %add3A_189 : vector<64x1xf32> to vector<4x16xf32>
    %get3A_191 = arith.constant 0 : index
    %get3A_192 = arith.constant 0 : index
    %get3A_193 = vector.load %arg9[%get3A_191, %get3A_192] : memref<16x8xf32, #tpu.memory_space<vmem>>, vector<16x8xf32>
    %dot_general3A_194 = arith.constant dense<0.000000e+00> : vector<4x8xf32>
    %dot_general3A_195 = tpu.matmul %reshape3A_190, %get3A_193, %dot_general3A_194 {dimension_numbers = #tpu.dot_dimension_numbers<[1], [0], [0], [1], [0, 0, 1, 1], [], []>, transpose_lhs_hint = false} : vector<4x16xf32>, vector<16x8xf32>, vector<4x8xf32> -> vector<4x8xf32>
    %get3A_196 = arith.constant 0 : index
    %get3A_197 = arith.constant 0 : index
    %get3A_198 = vector.load %arg10[%get3A_196, %get3A_197] : memref<16x8xf32, #tpu.memory_space<vmem>>, vector<16x8xf32>
    %dot_general3A_199 = arith.constant dense<0.000000e+00> : vector<4x8xf32>
    %dot_general3A_200 = tpu.matmul %reshape3A_190, %get3A_198, %dot_general3A_199 {dimension_numbers = #tpu.dot_dimension_numbers<[1], [0], [0], [1], [0, 0, 1, 1], [], []>, transpose_lhs_hint = false} : vector<4x16xf32>, vector<16x8xf32>, vector<4x8xf32> -> vector<4x8xf32>
    %mul3A_201 = arith.mulf %dot_general3A_195, %dot_general3A_195 : vector<4x8xf32>
    %mul3A_202 = arith.mulf %dot_general3A_200, %dot_general3A_200 : vector<4x8xf32>
    %add3A_203 = arith.addf %mul3A_201, %mul3A_202 : vector<4x8xf32>
    %sqrt3A = math.sqrt %add3A_203 : vector<4x8xf32>
    %get3A_204 = arith.constant 0 : index
    %get3A_205 = arith.constant 0 : index
    %get3A_206 = vector.load %arg11[%get3A_204, %get3A_205] : memref<8x128xf32, #tpu.memory_space<vmem>>, vector<8x128xf32>
    %dot_general3A_207 = arith.constant dense<0.000000e+00> : vector<4x128xf32>
    %dot_general3A_208 = tpu.matmul %sqrt3A, %get3A_206, %dot_general3A_207 {dimension_numbers = #tpu.dot_dimension_numbers<[1], [0], [0], [1], [0, 0, 1, 1], [], []>, transpose_lhs_hint = false} : vector<4x8xf32>, vector<8x128xf32>, vector<4x128xf32> -> vector<4x128xf32>
    %iota3A = tpu.iota {dimensions = array<i32: 1>} : vector<4x128xi32>
    %lt3A = arith.constant 6 : i32
    %lt3A_209 = vector.broadcast %lt3A : i32 to vector<4x128xi32>
    %lt3A_210 = arith.cmpi slt, %iota3A, %lt3A_209 : vector<4x128xi32>
    %jit3A = arith.constant -1.000000e+30 : f32
    %broadcast_in_dim3A_211 = vector.broadcast %jit3A : f32 to vector<4x128xf32>
    %select_n3A_212 = arith.select %lt3A_210, %dot_general3A_208, %broadcast_in_dim3A_211 : vector<4x128xi1>, vector<4x128xf32>
    %swap3A = arith.constant 0 : index
    %swap3A_213 = arith.constant 0 : index
    %swap3A_214 = vector.load %arg12[%swap3A, %swap3A_213] : memref<4x128xf32, #tpu.memory_space<vmem>>, vector<4x128xf32>
    tpu.vector_store %arg12[%swap3A, %swap3A_213], %select_n3A_212 {strides = array<i32>} : memref<4x128xf32, #tpu.memory_space<vmem>>, vector<4x128xf32>,
    return
  }
}

</mosaic_0001>

<sc_bundles>
// kernel: kernel.6.cloned.1.call-start
scs
__scs_entry_jumppad:
0x0: {  	(pc) =	sbr.rel $0x88, $3  }
0x1: {  	(tag) =	ssettag $0x0;
	lr =	simm.s32 $0x1  }
0x2: {  	[smem:$0x3F89] =	sst lr;
	_ =	strace $0xD0000000  }
0x3: {  	_ = 	snop  }
0x4: {  	_ = 	snop  }
0x5: {  	_ = 	snop  }
0x6: {  	_ = 	snop  }
0x7: {  	_ = 	snop  }
__scs_overlays_trampoline_lowered:
0x8: {  	[smem:$0x3F98] =	sst s0  }
0x9: {  	[smem:$0x3F99] =	sst s1  }
0xa: {  	[smem:$0x3F9A] =	sst s2  }
0xb: {  	[smem:$0x3F9B] =	sst s3  }
0xc: {  	[smem:$0x3F9C] =	sst s4  }
0xd: {  	[smem:$0x3F9D] =	sst s5  }
0xe: {  	[smem:$0x3F9E] =	sst s6  }
0xf: {  	[smem:$0x3F9F] =	sst s7  }
0x10: {  	[smem:$0x3FA0] =	sst s8  }
0x11: {  	[smem:$0x3FA1] =	sst s9;
	s0 =	simm.s32 @!p0 $0x0  }
0x12: {  	s1 =	sld [smem:$0x3F87];
	s0 =	simm.s32 @p0 $0x1  }
0x13: {  	[smem:$0x3FA2] =	sst s0;
	s0 =	simm.s32 @!p1 $0x0  }
0x14: {  	s2 =	sld [smem:$0x3F86];
	s0 =	simm.s32 @p1 $0x1  }
0x15: {  	[smem:$0x3FA3] =	sst s0;
	s0 =	simm.s32 @!p2 $0x0  }
0x16: {  	s3 =	sld [smem:$0x3FDB];
	s0 =	simm.s32 @p2 $0x1  }
0x17: {  	s4 =	simm.s32 $0x1BF5;
	[smem:$0x3FA5] =	sst s0  }
0x18: {  	s0 =	sld [smem:$0x3F88];
	_ =	swait.ge [sflag:s4], $0x0  }
0x19: {  	s7 =	sld [smem:$0x3F89]  }
0x1a: {  	s8 =	sadd.s32 $0xFFFFE003, lr  }
0x1b: {  	s9 =	sadd.s32 $0xFFFFFEF7, lr;
	s5 =	simm.s32 $0xFFFFFFFF;
	p2 =	slt.u32 s8, $0xFFFFF086  }
0x1c: {  	p1 =	slt.u32 s9, $0xF7A;
	s5 =	simm.s32 @!p2 $0x0  }
0x1d: {  	s5 =	simm.s32 @p1 $0x1;
	p0 =	seq.s32 s7, s2  }
0x1e: {  	s7 =	smul.u32 @!p0 $0xF7A, s2;
	p2 =	seq.s32 @!p0 s5, $0x0  }
0x1f: {  	s9 =	smul.u32 $0xF7A, s1;
	s8 =	simm.s32 @!p0 $0x1BF5;
	p2 =	por !p2, p0  }
0x20: {  	[sflag:s8] =	ssyncset.s32 @!p0 $0xFFFFF086;
	s6 =	sadd.s32 @!p0 s3, s7;
	s7 =	simm.s32 @!p0 $0x108  }
0x21: {  	s3 =	sadd.s32 s3, s9;
	s6 =	sadd.s32 @!p0 $0x88, s6;
	s7 =	simm.s32 @p2 $0x1082  }
0x22: {  	[simem:s7], [sflag:s8] =	dma.local @!p0 [hbm:s6], $0xF7A  }
0x23: {  	s9 =	sor.u32 $0xD0000000, s2;
	s6 =	simm.s32 $0x108;
	_ =	swait.ge @!p0 [sflag:s8], $0x0  }
0x24: {  	s3 =	sadd.s32 $0x88, s3;
	s6 =	simm.s32 @!p1 $0x1082;
	[sflag:s4] =	ssyncset.s32 $0xFFFFF086  }
0x25: {  	[simem:s6], [sflag:s4] =	dma.local [hbm:s3], $0xF7A  }
0x26: {  	[smem:$0x3F89] =	sst s1;
	(tag) =	ssettag s2;
	_ =	strace s9  }
0x27: {  	s1 =	sld [smem:$0x3F99]  }
0x28: {  	s2 =	sld [smem:$0x3F9A]  }
0x29: {  	s4 =	sld [smem:$0x3F9C]  }
0x2a: {  	p0 =	seq.s32 s5, $0x0;
	s5 =	sld [smem:$0x3F9D]  }
0x2b: {  	s6 =	sld [smem:$0x3F9E]  }
0x2c: {  	s7 =	sld [smem:$0x3F9F]  }
0x2d: {  	s3 =	simm.s32 $0x108;
	s8 =	sld [smem:$0x3FA0]  }
0x2e: {  	s3 =	simm.s32 @!p0 $0x1082;
	s9 =	sld [smem:$0x3FA1]  }
0x2f: {  	lr =	sadd.s32 s0, s3;
	s0 =	sld [smem:$0x3F98]  }
0x30: {  	s3 =	sld [smem:$0x3F9B]  }
0x31: {  	[smem:$0x3FA4] =	sst s10  }
0x32: {  	s10 =	sld [smem:$0x3FA2];
	_ =	sdelay $0x3  }
0x33: {  	p0 =	seq.s32 s10, $0x1;
	s10 =	sld [smem:$0x3FA4];
	_ =	sdelay $0x3  }
0x34: {  	[smem:$0x3FA4] =	sst s10  }
0x35: {  	s10 =	sld [smem:$0x3FA3];
	_ =	sdelay $0x3  }
0x36: {  	p1 =	seq.s32 s10, $0x1;
	s10 =	sld [smem:$0x3FA4];
	_ =	sdelay $0x3  }
0x37: {  	[smem:$0x3FA4] =	sst s10  }
0x38: {  	s10 =	sld [smem:$0x3FA5]  }
0x39: {  	_ = 	snop;
	(pc) =	sbr.ind lr, $3  }
0x3a: {  	_ = 	snop  }
0x3b: {  	_ = 	snop  }
0x3c: {  	p2 =	seq.s32 s10, $0x1;
	s10 =	sld [smem:$0x3FA4]  }
0x3d: {  	_ =	shalt  }
0x3e: {  	_ =	shalt  }
0x3f: {  	_ =	shalt  }
0x40: {  	_ =	shalt  }
0x41: {  	_ =	shalt  }
0x42: {  	_ =	shalt  }
0x43: {  	_ =	shalt  }
0x44: {  	_ =	shalt  }
0x45: {  	_ =	shalt  }
0x46: {  	_ =	shalt  }
0x47: {  	_ =	shalt  }
0x48: {  	_ =	shalt  }
0x49: {  	_ =	shalt  }
0x4a: {  	_ =	shalt  }
0x4b: {  	_ =	shalt  }
0x4c: {  	_ =	shalt  }
0x4d: {  	_ =	shalt  }
0x4e: {  	_ =	shalt  }
0x4f: {  	_ =	shalt  }
0x50: {  	_ =	shalt  }
0x51: {  	_ =	shalt  }
0x52: {  	_ =	shalt  }
0x53: {  	_ =	shalt  }
0x54: {  	_ =	shalt  }
0x55: {  	_ =	shalt  }
0x56: {  	_ =	shalt  }
0x57: {  	_ =	shalt  }
0x58: {  	_ =	shalt  }
0x59: {  	_ =	shalt  }
0x5a: {  	_ =	shalt  }
0x5b: {  	_ =	shalt  }
0x5c: {  	_ =	shalt  }
0x5d: {  	_ =	shalt  }
0x5e: {  	_ =	shalt  }
0x5f: {  	_ =	shalt  }
0x60: {  	_ =	shalt  }
0x61: {  	_ =	shalt  }
0x62: {  	_ =	shalt  }
0x63: {  	_ =	shalt  }
0x64: {  	_ =	shalt  }
0x65: {  	_ =	shalt  }
0x66: {  	_ =	shalt  }
0x67: {  	_ =	shalt  }
0x68: {  	_ =	shalt  }
0x69: {  	_ =	shalt  }
0x6a: {  	_ =	shalt  }
0x6b: {  	_ =	shalt  }
0x6c: {  	_ =	shalt  }
0x6d: {  	_ =	shalt  }
0x6e: {  	_ =	shalt  }
0x6f: {  	_ =	shalt  }
0x70: {  	_ =	shalt  }
0x71: {  	_ =	shalt  }
0x72: {  	_ =	shalt  }
0x73: {  	_ =	shalt  }
0x74: {  	_ =	shalt  }
0x75: {  	_ =	shalt  }
0x76: {  	_ =	shalt  }
0x77: {  	_ =	shalt  }
0x78: {  	_ =	shalt  }
0x79: {  	_ =	shalt  }
0x7a: {  	_ =	shalt  }
0x7b: {  	_ =	shalt  }
0x7c: {  	_ =	shalt  }
0x7d: {  	_ =	shalt  }
0x7e: {  	_ =	shalt  }
0x7f: {  	_ =	shalt  }
0x80: {  	_ =	shalt  }
0x81: {  	_ =	shalt  }
0x82: {  	_ =	shalt  }
0x83: {  	_ =	shalt  }
0x84: {  	_ =	shalt  }
0x85: {  	_ =	shalt  }
0x86: {  	_ =	shalt  }
0x87: {  	_ =	shalt  }
.Lfunc_end0:
.L_simem_size_0:
called_computation_lowered:
.L_overlay_start_0:
0x88: {  	s2 =	sld [smem:$0x3FD9]  }
0x89: {  	s3 =	sld [smem:$0x3FFE];
	_ =	sdelay $0x1  }
0x8a: {  	s1 =	srdreg.scid  }
0x8b: {  	s0 =	sand.u32 $0x1, s1  }
0x8c: {  	s17 =	sshll.u32 s0, $0xA;
	s2 =	sadd.s32 s3, s2  }
0x8d: {  	s2 =	sadd.s32 s2, s17  }
0x8e: {  	[smem:$0x3FB0] =	sst s2  }
0x8f: {  	_ = 	snop  }
0x90: {  	s2 =	sld [smem:$0x3FD0];
	(tm) =	ssettm $0x1  }
0x91: {  	s18 =	sld [smem:$0x3FFB];
	_ =	sdelay $0x3  }
0x92: {  	_ =	strace s18  }
0x93: {  	s3 =	sld [smem:$0x3FFC];
	_ =	sdelay $0x3  }
0x94: {  	_ =	strace s3  }
0x95: {  	s3 =	sld [smem:$0x3FFD];
	_ =	sdelay $0x3  }
0x96: {  	_ =	strace s3  }
0x97: {  	_ =	strace $0x8FFFFFFF  }
0x98: {  	s19 =	sld [smem:$0x3FDB];
	_ =	sdelay $0x1  }
0x99: {  	s4 =	simm.s32 $_scs_section_size  }
0x9a: {  	s5 =	simm.s32 $_size__tile_overlayer_lowered;
	s6 =	simm.s32 $_tile_overlayer_lowered  }
0x9b: {  	s22 =	simm.s32 $0x1BFF;
	s21 =	sshll.u32 s6, $0x1;
	s3 =	sadd.s32 s4, s19  }
0x9c: {  	s7 =	simm.s32 $0x0;
	s20 =	sshll.u32 s5, $0x1;
	s5 =	sadd.s32 s21, s3  }
0x9d: {  	[timem:s7], [sflag:s22] =	dma.local [hbm:s5], s20  }
0x9e: {  	_ =	swait.ge [sflag:s22], s20  }
0x9f: {  	s4 =	ssub.s32 $0x0, s20;
	[sflag:s22] =	ssyncset.done $0x0  }
0xa0: {  	[sflag:s22] =	ssyncadd.s32 s4;
	_ =	sdelay $0x1  }
0xa1: {  	s23 =	simm.s32 $0x1B8B  }
0xa2: {  	_ =	swait.ge [sflag:s23], $0x1  }
0xa3: {  	[sflag:s23] =	ssyncset.done $0x0  }
0xa4: {  	s25 =	simm.s32 $0x1B8E;
	s24 =	sld [smem:$0x3FFE];
	[sflag:s23] =	ssyncadd.s32 $0xFFFFFFFF  }
0xa5: {  	s26 =	simm.s32 $execute0_lowered;
	[smem:$0x3FD2] =	sst s25  }
0xa6: {  	s5 =	sshll.u32 s26, $0x1;
	_ =	strace $0x80000046;
	[dreg:$0x1] =	wrdreg $0xFFFFFFFF  }
0xa7: {  	s28 =	simm.s32 $_size_execute0_lowered;
	s3 =	sadd.s32 s3, s5;
	[dreg:$0x0] =	wrdreg $0x0  }
0xa8: {  	s5 =	sshll.u32 s28, $0x1;
	[dreg:$0x2] =	wrdreg s3  }
0xa9: {  	[dreg:$0x3] =	wrdreg s5  }
0xaa: {  	[dreg:$0x4] =	wrdreg $0xC0  }
0xab: {  	_ =	task [dreg:s7], $0x5FFFF  }
0xac: {  	[dreg:$0x1] =	wrdreg $0xFFFFFFFF  }
0xad: {  	[dreg:$0x0] =	wrdreg $0x60  }
0xae: {  	[dreg:$0x2] =	wrdreg s24  }
0xaf: {  	[dreg:$0x3] =	wrdreg s2  }
0xb0: {  	[dreg:$0x4] =	wrdreg $0x9  }
0xb1: {  	_ =	task.clear_ibuf [dreg:s7], $0x5FFFF;
	_ =	strace $0x90000046  }
0xb2: {  	s29 =	simm.s32 $0x9;
	_ =	strace $0x80000048  }
0xb3: {  	_ =	swait.ge [sflag:s29], $0x1  }
0xb4: {  	[sflag:s29] =	ssyncadd.s32 $0xFFFFFFFF  }
0xb5: {  	_ =	strace $0x90000048  }
0xb6: {  	_ =	sfence  }
0xb7: {  	s30 =	sld [smem:$0x0];
	_ =	sdelay $0x2  }
0xb8: {  	s31 =	sshll.u32 s1, $0xD;
	s1 =	sshrl.u32 s1, $0x2  }
0xb9: {  	s3 =	sand.u32 $0x4000, s31;
	s1 =	sadd.s32 s1, s30  }
0xba: {  	s0 =	sor.u32 s3, s0;
	s1 =	sshll.u32 s1, $0x11  }
0xbb: {  	s0 =	sor.u32 s1, s0  }
0xbc: {  	s0 =	sadd.s32 $0x8F2B, s0  }
0xbd: {  	[sflag:s0] =	ssyncadd.remote.s32 $0x1  }
0xbe: {  	_ =	sfence.sel $0xFFFF  }
0xbf: {  	[dreg:$0x0] =	wrdreg $0xFFFFFFFF;
	(pc) =	sbr.abs _section_cstart, $3  }
0xc0: {  	[dreg:$0x1] =	wrdreg $0xFFFFFFFF  }
0xc1: {  	_ =	task.clear_ibuf [dreg:s7], $0x2FFFF;
	_ =	strace $0x9FFFFFFF  }
0xc2: {  	(tm) =	ssettm $0x7FFFFFFF  }
0xc3: {  	_ =	shalt  }
tec
execute0_lowered:
.L_overlay_start_1:
0x0: {  	(tag) =	ssettag $0x1  }
0x1: {  	s1 =	stileid.u32  }
0x2: {  	p0 =	sgt.u32 s1, $0x1  }
.Ltmp0:
0x3: {  	_ = 	snop;
	(pc) =	sbr.rel @p0 .LBB2_4-.Ltmp0, $4  }
0x4: {  	s3 =	rddreg [dreg:$0x0]  }
0x5: {  	s7 =	rddreg [dreg:$0x1];
	s2 =	simm.s32 $0x0  }
0x6: {  	[smem:$0x7FF] =	sst s2  }
0x7: {  	s0 =	rddreg [dreg:$0x2];
	_ =	strace $0x80000047  }
0x8: {  	s4 =	srdreg.scid  }
0x9: {  	s6 =	sand.u32 $0x1, s4  }
0xa: {  	s30 =	sshll.u32 s1, $0x5;
	s5 =	sshll.u32 s6, $0x4  }
0xb: {  	s3 =	sadd.s32 $0x3200, s3;
	s8 =	sor.u32 s5, s30  }
0xc: {  	s4 =	sadd.s32 s3, s8;
	s3 =	simm.s32 $0x1  }
0xd: {  	[tilespmem:s2], [sflag:$0x1] =	stream.linear.gather [hbm4b:s4+s2], $0x10, $0x38;
	[tilespmem:$0x180] =	vst v63  }
0xe: {  	_ =	swait.ge [sflag:s3], $0x10  }
0xf: {  	[sflag:s3] =	ssyncset.done $0x0  }
0x10: {  	[sflag:s3] =	ssyncadd.s32 $0xFFFFFFF0  }
0x11: {  	v1 =	vld [tilespmem:$0x0];
	_ =	sdelay $0x3  }
0x12: {  	v0 =	vlaneseq.u32  }
0x13: {  	(xrf1) =	vsort.dscd.msk.f32 $0xffff, v1, v0;
	_ =	sdelay $0xa  }
0x14: {  	v1 =	vimm.s32 $0x1;
	_ =	sdelay $0x2  }
0x15: {  	v2, v3, _ =	vpop (xrf1)  }
0x16: {  	s5 =	simm.s32 $0x80;
	[tilespmem:$0x80] =	vst v2  }
0x17: {  	v2 =	vld.idx.msk [tilespmem:v1+s5+$0x0], $0xffff  }
0x18: {  	v4 =	vld.msk [tilespmem:s5+$0x0], $0xffff;
	_ =	sdelay $0x4  }
0x19: {  	v2 =	vsub.f32 v2, v4;
	_ =	sdelay $0x1  }
0x1a: {  	v2 =	vmul.f32 $1.442695020e+00, v2;
	_ =	sdelay $0x1  }
0x1b: {  	(erf) = vpow2.f32 v2;
	_ =	sdelay $0x8  }
0x1c: {  	v2 =	vpop (erf)  }
0x1d: {  	v63 =	vadd.f32 $1.000000000e+00, v2;
	_ =	sdelay $0x1  }
0x1e: {  	(erf) = vrcp.f32 v63;
	_ =	sdelay $0x6  }
0x1f: {  	s6 =	ssub.s32 $0x2, s6  }
0x20: {  	s9 =	sshrl.u32 s6, $0x1  }
0x21: {  	s9 =	ssub.s32 s6, s9;
	v4 =	vpop (erf)  }
0x22: {  	s31 =	smax.u32 s9, $0x1;
	v5 =	vmul.f32 v4, v2  }
0x23: {  	vm0 =	vmmov $0x1;
	p0 =	sne.s32 s31, $0x1;
	v2 =	vimm.f32 $0.0e+00  }
.Ltmp1:
0x24: {  	s6 =	simm.s32 $0x100;
	[tilespmem:$0x100] =	vst v2;
	v4 =	vsel vm0, v4, v5;
	(pc) =	sbr.rel @!p0 .LBB2_3-.Ltmp1, $4  }
0x25: {  	s7 =	sadd.s32 s7, s8;
	[tilespmem:v3+s6+$0x0] =	vst.idx.msk $0x3, v4  }
0x26: {  	[hbm4b:s7+s2] =	stream.linear.scatter [tilespmem:s6], [sflag:$0x1], $0x80, $0x38;
	[tilespmem:$0x180] =	vst v63  }
0x27: {  	_ =	swait.ge [sflag:s3], $0x80  }
0x28: {  	s8 =	sadd.s32 $0xFFFFFFFF, s31;
	[sflag:s3] =	ssyncset.done $0x0  }
.LBB2_2:
0x29: {  	p0 =	sne.s32 s8, $0x1;
	s8 =	sadd.s32 $0xFFFFFFFF, s8;
	[sflag:s3] =	ssyncadd.s32 $0xFFFFFF80  }
0x2a: {  	[tilespmem:s2], [sflag:$0x1] =	stream.linear.gather [hbm4b:s4+s2], $0x10, $0x38;
	[tilespmem:$0x180] =	vst v63  }
0x2b: {  	_ =	swait.ge [sflag:s3], $0x10  }
0x2c: {  	[sflag:s3] =	ssyncset.done $0x0  }
0x2d: {  	[sflag:s3] =	ssyncadd.s32 $0xFFFFFFF0  }
0x2e: {  	v3 =	vld [tilespmem:$0x0];
	_ =	sdelay $0x4  }
0x2f: {  	(xrf1) =	vsort.dscd.msk.f32 $0xffff, v3, v0;
	_ =	sdelay $0xd  }
0x30: {  	v3, v4, _ =	vpop (xrf1)  }
0x31: {  	[tilespmem:$0x80] =	vst v3  }
0x32: {  	v3 =	vld.idx.msk [tilespmem:v1+s5+$0x0], $0xffff  }
0x33: {  	v5 =	vld.msk [tilespmem:s5+$0x0], $0xffff  }
0x34: {  	[tilespmem:$0x100] =	vst v2;
	_ =	sdelay $0x3  }
0x35: {  	v3 =	vsub.f32 v3, v5;
	_ =	sdelay $0x1  }
0x36: {  	v3 =	vmul.f32 $1.442695020e+00, v3;
	_ =	sdelay $0x1  }
0x37: {  	(erf) = vpow2.f32 v3;
	_ =	sdelay $0x8  }
0x38: {  	v3 =	vpop (erf)  }
0x39: {  	v5 =	vadd.f32 $1.000000000e+00, v3;
	_ =	sdelay $0x1  }
0x3a: {  	(erf) = vrcp.f32 v5;
	_ =	sdelay $0x8  }
0x3b: {  	v5 =	vpop (erf)  }
0x3c: {  	v3 =	vmul.f32 v5, v3;
	_ =	sdelay $0x1  }
.Ltmp2:
0x3d: {  	v3 =	vsel vm0, v5, v3;
	(pc) =	sbr.rel @p0 .LBB2_2-.Ltmp2, $4  }
0x3e: {  	[tilespmem:v4+s6+$0x0] =	vst.idx.msk $0x3, v3  }
0x3f: {  	[hbm4b:s7+s2] =	stream.linear.scatter [tilespmem:s6], [sflag:$0x1], $0x80, $0x38;
	[tilespmem:$0x180] =	vst v63  }
0x40: {  	_ =	swait.ge [sflag:s3], $0x80  }
0x41: {  	[sflag:s3] =	ssyncset.done $0x0  }
.LBB2_3:
0x42: {  	[sflag:s3] =	ssyncadd.s32 $0xFFFFFF80  }
.LBB2_4:
0x43: {  	_ =	sfence.sel $0x180000  }
0x44: {  	[bflag:$0x0] =	sbarrier.arrive $0xFFFF  }
0x45: {  	p0 =	sne.s32 s1, $0x0;
	_ =	strace $0x90000047  }
0x46: {  	s0 =	sadd.s32 @!p0 $0x100000, s0;
	[bflag:$0x2] =	sbarrier.arrive $0xFFFF  }
0x47: {  	[sflag:s0] =	ssyncadd.tile.s32 @!p0 $0x1;
	_ =	shalt  }
.Lfunc_end2:
_tile_overlayer_lowered:
.L_overlay_start_2:
0x48: {  	(tag) =	ssettag $0x2  }
0x49: {  	s0 =	rddreg [dreg:$0x0];
	s2 =	stileid.u32  }
0x4a: {  	s1 =	rddreg [dreg:$0x1];
	p0 =	sne.s32 s2, $0x0  }
0x4b: {  	s3 =	rddreg [dreg:$0x2];
	[bflag:$0x3] =	sbarrier.arrive $0xFFFF;
	s2 =	simm.s32 @!p0 $0x1C01  }
0x4c: {  	[timem:s3], [sflag:s2] =	dma.local @!p0 [hbm:s0], s1  }
0x4d: {  	s0 =	simm.s32 @!p0 $0x1  }
0x4e: {  	_ =	swait.ge @!p0 [sflag:s0], s1  }
0x4f: {  	s1 =	ssub.s32 @!p0 $0x0, s1;
	[sflag:s0] =	ssyncset.done @!p0 $0x0  }
0x50: {  	[sflag:s0] =	ssyncadd.s32 @!p0 s1  }
0x51: {  	[bflag:$0x3] =	sbarrier.arrive $0xFFFF  }
0x52: {  	_ =	shalt  }

</sc_bundles>
